<compile_context>
chip_gen: v7x
topology: tpu7x:2x2x1
jax: 0.10.2.dev20260603
libtpu: 0.0.44.dev20260713+nightly
codegen_flags: <defaults>
</compile_context>

<pallas_src>
import functools

import jax
import jax.numpy as jnp
from jax import lax
from jax.experimental import pallas as pl
from jax.experimental.pallas import tpu as pltpu
from jax.experimental.pallas import tpu_sc as plsc

ORISIZE = 256
KER = 32
STRIDE = 2
PSIZE = (ORISIZE - KER) // STRIDE + 1
PPAD = 128
PFLAT = PSIZE * PPAD
IMG = ORISIZE * ORISIZE


def _pool_tc_body(x_ref, out_ref):
    x0 = x_ref[0, 0]
    x1 = x_ref[0, 1]
    m = jnp.maximum(x0, x1)
    e0 = jnp.exp(x0 - m)
    e1 = jnp.exp(x1 - m)
    s = e0 + e1

    pr = lax.broadcasted_iota(jnp.int32, (PPAD, ORISIZE), 0)
    jr = lax.broadcasted_iota(jnp.int32, (PPAD, ORISIZE), 1)
    wr = ((jr >= STRIDE * pr) & (jr < STRIDE * pr + KER)).astype(jnp.float32)
    jc = lax.broadcasted_iota(jnp.int32, (ORISIZE, PPAD), 0)
    pc = lax.broadcasted_iota(jnp.int32, (ORISIZE, PPAD), 1)
    wc = ((jc >= STRIDE * pc) & (jc < STRIDE * pc + KER)
          & (pc < PSIZE)).astype(jnp.float32)

    inv = jnp.float32(1.0 / (KER * KER))
    for c, p in ((0, e0 / s), (1, e1 / s)):
        t = jnp.dot(p, wc, preferred_element_type=jnp.float32,
                    precision=lax.Precision.HIGHEST)
        g = jnp.dot(wr, t, preferred_element_type=jnp.float32,
                    precision=lax.Precision.HIGHEST)
        out_ref[0, c] = (g * inv)[:PSIZE, :]


def _pooled_grids(infeat):
    b = infeat.shape[0]
    return pl.pallas_call(
        _pool_tc_body,
        grid=(b,),
        in_specs=[pl.BlockSpec((1, 2, ORISIZE, ORISIZE), lambda i: (i, 0, 0, 0))],
        out_specs=pl.BlockSpec((1, 2, PSIZE, PPAD), lambda i: (i, 0, 0, 0)),
        out_shape=jax.ShapeDtypeStruct((b, 2, PSIZE, PPAD), jnp.float32),
    )(infeat)


def _sc_mask_body(pooled_hbm, karr_hbm, mask_hbm, coord_hbm, val_hbm,
                  pbuf, mbuf, kbuf, bufm, bufi, cstage, vstage):
    i = lax.axis_index("s") * 2 + lax.axis_index("c")

    lane = lax.iota(jnp.int32, 16)
    zeros16 = jnp.zeros((16,), jnp.float32)
    ones16 = jnp.ones((16,), jnp.float32)

    pltpu.sync_copy(karr_hbm, kbuf)
    kshiftv = kbuf[...].astype(jnp.int32)

    def _zf(j, carry):
        base = j * 128
        for t in range(8):
            mbuf[pl.ds(base + t * 16, 16)] = zeros16
        return carry
    lax.fori_loop(0, IMG // 128, _zf, 0)

    for c in range(2):
        pltpu.sync_copy(pooled_hbm.at[i, c], pbuf)

        def _scan(r, carry):
            mx, ix = carry
            for u in range(8):
                v = pbuf[pl.ds(r * PPAD + u * 16, 16)]
                col = u * 16 + lane
                if u == 7:
                    v = jnp.where(col < PSIZE, v, jnp.float32(-1.0))
                nflat = (-(r * PSIZE) - col).astype(jnp.float32)
                upd = v > mx
                mx = jnp.where(upd, v, mx)
                ix = jnp.where(upd, nflat, ix)
            return mx, ix
        m0 = jnp.full((16,), -jnp.inf, jnp.float32)
        i0 = jnp.full((16,), -1e6, jnp.float32)
        mx, ix = lax.fori_loop(0, PSIZE, _scan, (m0, i0))

        for shift in (1, 2, 4, 8):
            bufm[...] = mx
            bufi[...] = ix
            pidx = lane ^ shift
            mxp = plsc.load_gather(bufm, [pidx])
            ixp = plsc.load_gather(bufi, [pidx])
            take = (mxp > mx) | ((mxp == mx) & (ixp > ix))
            mx = jnp.where(take, mxp, mx)
            ix = jnp.where(take, ixp, ix)
        gidxv = (-ix).astype(jnp.int32) + kshiftv

        pxv = gidxv % PSIZE
        pyv = gidxv // PSIZE
        ox0v = pxv * STRIDE
        oy0v = pyv * STRIDE
        ox1v = jnp.minimum(ox0v + KER - 1, ORISIZE - 1)
        oy1v = jnp.minimum(oy0v + KER - 1, ORISIZE - 1)

        def _patch(rr, carry):
            offv = (oy0v + rr) * ORISIZE + ox0v + lane
            plsc.store_scatter(mbuf, [offv], ones16)
            plsc.store_scatter(mbuf, [offv + 16], ones16)
            return carry
        lax.fori_loop(0, KER, _patch, 0)

        cstage[...] = jnp.where(
            lane == 0, ox0v,
            jnp.where(lane == 1, ox1v,
                      jnp.where(lane == 2, oy0v,
                                jnp.where(lane == 3, oy1v, 0))))
        pltpu.sync_copy(cstage, coord_hbm.at[i, c])
        vstage[...] = jnp.where(lane == 0, mx, jnp.float32(0.0))
        pltpu.sync_copy(vstage, val_hbm.at[i, c])

    pltpu.sync_copy(mbuf, mask_hbm.at[i])


def kernel(infeat, labelTpesudo, labelT, FeatureDA, k):
    del labelTpesudo, FeatureDA
    b = infeat.shape[0]

    pooled = _pooled_grids(infeat)
    pooled_flat = pooled.reshape(b, 2, PFLAT)
    karr = jnp.full((16,), jnp.asarray(k, jnp.float32) - 1.0,
                    dtype=jnp.float32)

    sc = functools.partial(
        pl.kernel,
        mesh=plsc.VectorSubcoreMesh(core_axis_name="c", subcore_axis_name="s"),
        compiler_params=pltpu.CompilerParams(needs_layout_passes=False),
        out_type=[
            jax.ShapeDtypeStruct((b, IMG), jnp.float32),
            jax.ShapeDtypeStruct((b, 2, 16), jnp.int32),
            jax.ShapeDtypeStruct((b, 2, 16), jnp.float32),
        ],
        scratch_types=[
            pltpu.VMEM((PFLAT,), jnp.float32),
            pltpu.VMEM((IMG,), jnp.float32),
            pltpu.VMEM((16,), jnp.float32),
            pltpu.VMEM((16,), jnp.float32),
            pltpu.VMEM((16,), jnp.float32),
            pltpu.VMEM((16,), jnp.int32),
            pltpu.VMEM((16,), jnp.float32),
        ],
    )(_sc_mask_body)
    mask_flat, cbuf, vbuf = sc(pooled_flat, karr)

    mask = mask_flat.reshape(b, 1, ORISIZE, ORISIZE).astype(labelT.dtype)
    coords = jnp.transpose(cbuf[:, :, :4], (1, 0, 2)).reshape(2, b, 2, 2)
    values = jnp.transpose(vbuf[:, :, :1], (1, 0, 2)).reshape(2, b, 1, 1)
    return (mask, coords, values)

# --- scband reference (transcript-rebuilt; emitter-appended) ---
"""Pipeline reference for scband-gen-mask-patch-new-80788334837906 (READ-ONLY COPY).

The authoritative reference and input builder live on the scoring server;
editing this copy changes nothing except your own understanding.
"""

import jax, jax.numpy as jnp
import numpy as np

ORISIZE = 256
KERNEL = 32
STRIDE = 2
PADDING = 0


def setup_inputs(seed: int = 0) -> dict:
    key = jax.random.key(seed)
    k1, k2, k3, k4 = jax.random.split(key, 4)
    B = 32
    infeat = jax.random.normal(k1, (B, 2, ORISIZE, ORISIZE), dtype=jnp.float32)
    labelTpesudo = jax.random.randint(k2, (B, 1, ORISIZE, ORISIZE), 0, 2).astype(jnp.int64)
    labelT = jnp.zeros((B, 1, ORISIZE, ORISIZE), dtype=jnp.float32)
    FeatureDA = jax.random.normal(k4, (B, 2, ORISIZE, ORISIZE), dtype=jnp.float32)
    return {"infeat": infeat, "labelTpesudo": labelTpesudo, "labelT": labelT,
            "FeatureDA": FeatureDA, "k": 1}


def _avgpool(x):
    s = jax.lax.reduce_window(x, 0.0, jax.lax.add,
                              (1, 1, KERNEL, KERNEL), (1, 1, STRIDE, STRIDE), 'VALID')
    return s / float(KERNEL * KERNEL)


def reference(infeat, labelTpesudo, labelT, FeatureDA, k):
    # softmax over class channel
    output = jax.nn.softmax(infeat, axis=1)
    # AvgPool2d(kernel=32, stride=2, padding=0)
    pooled = _avgpool(output)
    poolSize = (ORISIZE - KERNEL) // STRIDE + 1  # 113
    gy, gx = jnp.meshgrid(jnp.arange(poolSize), jnp.arange(poolSize), indexing='ij')
    grid_xy = jnp.stack([gx, gy], axis=-1).transpose(2, 0, 1)[:, None, :, :].astype(jnp.float32)
    grid_xy = grid_xy.reshape(2, 1, poolSize * poolSize)

    B = infeat.shape[0]
    mask = jnp.zeros_like(labelT)
    ones_patch = jnp.ones((1, labelT.shape[1], KERNEL, KERNEL), dtype=labelT.dtype)
    coords = []
    all_vals = []
    K_STATIC = 1
    for c in range(2):
        flat = pooled[:, c, :, :].reshape(B, 1, -1)
        values, indices = jax.lax.top_k(flat, K_STATIC)  # [B,1,k]
        indices = indices + jnp.asarray(k, indices.dtype) - K_STATIC
        all_vals.append(values)
        for i in range(B):
            # In the torch module the inner j-loop always breaks after the first
            # valid patch; with padding=0, stride=2, kernel=32 and poolSize=113
            # every patch is exactly 32x32 in-bounds, so only j=0 executes.
            j = 0
            idx = indices[i, 0, j]
            px = grid_xy[0, 0, idx]
            py = grid_xy[1, 0, idx]
            ox0 = jnp.maximum(0, px * STRIDE - PADDING).astype(jnp.int32)
            ox1 = jnp.minimum(ORISIZE - 1, px * STRIDE + KERNEL - 1 - PADDING).astype(jnp.int32)
            oy0 = jnp.maximum(0, py * STRIDE - PADDING).astype(jnp.int32)
            oy1 = jnp.minimum(ORISIZE - 1, py * STRIDE + KERNEL - 1 - PADDING).astype(jnp.int32)
            mask = jax.lax.dynamic_update_slice(
                mask, ones_patch, (jnp.int32(i), jnp.int32(0), oy0, ox0))
            coords.append(jnp.stack([jnp.stack([ox0, ox1]), jnp.stack([oy0, oy1])]))
    coords = jnp.stack(coords).reshape(2, B, 2, 2)   # PatchDict pointXY per (class, image)
    values_out = jnp.stack(all_vals)                 # [2, B, 1, k] top-k pooled scores
    return (jax.lax.stop_gradient(mask), coords, values_out)

if __name__ == "__main__":
    import jax
    _d = setup_inputs()
    print(jax.jit(kernel)(*tuple(_d.values())))

</pallas_src>

<mosaic_0001>
#map = affine_map<(d0, d1) -> (0, 0, 0)>
#map1 = affine_map<(d0, d1) -> (0)>
#map2 = affine_map<(d0, d1) -> (0, 0)>
module attributes {stable_mosaic.version = 14 : i64} {
  func.func @_sc_mask_body(%arg0: i32, %arg1: i32, %arg2: memref<32x2x14464xf32, #tpu.memory_space<hbm>>, %arg3: memref<16xf32, #tpu.memory_space<hbm>>, %arg4: memref<32x65536xf32, #tpu.memory_space<hbm>>, %arg5: memref<32x2x16xi32, #tpu.memory_space<hbm>>, %arg6: memref<32x2x16xf32, #tpu.memory_space<hbm>>, %arg7: memref<14464xf32, #tpu.memory_space<vmem>>, %arg8: memref<65536xf32, #tpu.memory_space<vmem>>, %arg9: memref<16xf32, #tpu.memory_space<vmem>>, %arg10: memref<16xf32, #tpu.memory_space<vmem>>, %arg11: memref<16xf32, #tpu.memory_space<vmem>>, %arg12: memref<16xi32, #tpu.memory_space<vmem>>, %arg13: memref<16xf32, #tpu.memory_space<vmem>>) attributes {dimension_semantics = [#tpu.dimension_semantics<core_parallel>, #tpu.dimension_semantics<subcore_parallel>], iteration_bounds = array<i64: 2, 16>, scalar_prefetch = 0 : i64, scratch_operands = 7 : i64, tpu.core_type = #tpu.core_type<sc_vector_subcore>, window_params = [{transform_indices = #map}, {transform_indices = #map1}, {transform_indices = #map2}, {transform_indices = #map}, {transform_indices = #map}]} {
    %mul3A = arith.constant 2 : i32
    %mul3A_0 = arith.muli %arg1, %mul3A : i32
    %add3A = arith.addi %mul3A_0, %arg0 : i32
    %iota3A = tpu.iota {dimensions = array<i32: 0>} : vector<16xi32>
    %broadcast_in_dim3A = arith.constant 0.000000e+00 : f32
    %broadcast_in_dim3A_1 = vector.broadcast %broadcast_in_dim3A : f32 to vector<16xf32>
    %broadcast_in_dim3A_2 = arith.constant 1.000000e+00 : f32
    %broadcast_in_dim3A_3 = vector.broadcast %broadcast_in_dim3A_2 : f32 to vector<16xf32>
    "tpu.region"() ({
      %run_scoped3A_378 = tpu.sem_alloc : memref<!tpu.dma_semaphore, #tpu.memory_space<semaphore_mem>>
      tpu.enqueue_dma source(%arg3 : memref<16xf32, #tpu.memory_space<hbm>>) target(%arg9 : memref<16xf32, #tpu.memory_space<vmem>>) target_semaphore(%run_scoped3A_378 : memref<!tpu.dma_semaphore, #tpu.memory_space<semaphore_mem>>)
      tpu.wait_dma2 semaphore(%run_scoped3A_378 : memref<!tpu.dma_semaphore, #tpu.memory_space<semaphore_mem>>) src(%arg3 : memref<16xf32, #tpu.memory_space<hbm>>) dst(%arg9 : memref<16xf32, #tpu.memory_space<vmem>>)
      tpu.yield
    }) : () -> ()
    %get3A = arith.constant 0 : index
    %get3A_4 = tpu.vector_load %arg9[%get3A] {strides = array<i32>} : memref<16xf32, #tpu.memory_space<vmem>>, vector<16xf32>,
    %convert_element_type3A = arith.fptosi %get3A_4 : vector<16xf32> to vector<16xi32>
    %scan3A = arith.constant 0 : i32
    %scan3A_5 = arith.constant 0 : i32
    %scan3A_6 = arith.constant 512 : i32
    %scan3A_7 = arith.addi %scan3A_5, %scan3A_6 : i32
    %scan3A_8 = arith.constant 1 : i32
    scf.for %scan3A_378 = %scan3A_5 to %scan3A_7 step %scan3A_8  : i32 {
      %mul3A_379 = arith.constant 128 : i32
      %mul3A_380 = arith.muli %scan3A_378, %mul3A_379 : i32
      %add3A_381 = arith.constant 0 : i32
      %add3A_382 = arith.addi %mul3A_380, %add3A_381 : i32
      %swap3A_383 = arith.index_cast %add3A_382 : i32 to index
      %swap3A_384 = tpu.vector_load %arg8[%swap3A_383] {strides = array<i32>} : memref<65536xf32, #tpu.memory_space<vmem>>, vector<16xf32>,
      tpu.vector_store %arg8[%swap3A_383], %broadcast_in_dim3A_1 {strides = array<i32>} : memref<65536xf32, #tpu.memory_space<vmem>>, vector<16xf32>,
      %add3A_385 = arith.constant 16 : i32
      %add3A_386 = arith.addi %mul3A_380, %add3A_385 : i32
      %swap3A_387 = arith.index_cast %add3A_386 : i32 to index
      %swap3A_388 = tpu.vector_load %arg8[%swap3A_387] {strides = array<i32>} : memref<65536xf32, #tpu.memory_space<vmem>>, vector<16xf32>,
      tpu.vector_store %arg8[%swap3A_387], %broadcast_in_dim3A_1 {strides = array<i32>} : memref<65536xf32, #tpu.memory_space<vmem>>, vector<16xf32>,
      %add3A_389 = arith.constant 32 : i32
      %add3A_390 = arith.addi %mul3A_380, %add3A_389 : i32
      %swap3A_391 = arith.index_cast %add3A_390 : i32 to index
      %swap3A_392 = tpu.vector_load %arg8[%swap3A_391] {strides = array<i32>} : memref<65536xf32, #tpu.memory_space<vmem>>, vector<16xf32>,
      tpu.vector_store %arg8[%swap3A_391], %broadcast_in_dim3A_1 {strides = array<i32>} : memref<65536xf32, #tpu.memory_space<vmem>>, vector<16xf32>,
      %add3A_393 = arith.constant 48 : i32
      %add3A_394 = arith.addi %mul3A_380, %add3A_393 : i32
      %swap3A_395 = arith.index_cast %add3A_394 : i32 to index
      %swap3A_396 = tpu.vector_load %arg8[%swap3A_395] {strides = array<i32>} : memref<65536xf32, #tpu.memory_space<vmem>>, vector<16xf32>,
      tpu.vector_store %arg8[%swap3A_395], %broadcast_in_dim3A_1 {strides = array<i32>} : memref<65536xf32, #tpu.memory_space<vmem>>, vector<16xf32>,
      %add3A_397 = arith.constant 64 : i32
      %add3A_398 = arith.addi %mul3A_380, %add3A_397 : i32
      %swap3A_399 = arith.index_cast %add3A_398 : i32 to index
      %swap3A_400 = tpu.vector_load %arg8[%swap3A_399] {strides = array<i32>} : memref<65536xf32, #tpu.memory_space<vmem>>, vector<16xf32>,
      tpu.vector_store %arg8[%swap3A_399], %broadcast_in_dim3A_1 {strides = array<i32>} : memref<65536xf32, #tpu.memory_space<vmem>>, vector<16xf32>,
      %add3A_401 = arith.constant 80 : i32
      %add3A_402 = arith.addi %mul3A_380, %add3A_401 : i32
      %swap3A_403 = arith.index_cast %add3A_402 : i32 to index
      %swap3A_404 = tpu.vector_load %arg8[%swap3A_403] {strides = array<i32>} : memref<65536xf32, #tpu.memory_space<vmem>>, vector<16xf32>,
      tpu.vector_store %arg8[%swap3A_403], %broadcast_in_dim3A_1 {strides = array<i32>} : memref<65536xf32, #tpu.memory_space<vmem>>, vector<16xf32>,
      %add3A_405 = arith.constant 96 : i32
      %add3A_406 = arith.addi %mul3A_380, %add3A_405 : i32
      %swap3A_407 = arith.index_cast %add3A_406 : i32 to index
      %swap3A_408 = tpu.vector_load %arg8[%swap3A_407] {strides = array<i32>} : memref<65536xf32, #tpu.memory_space<vmem>>, vector<16xf32>,
      tpu.vector_store %arg8[%swap3A_407], %broadcast_in_dim3A_1 {strides = array<i32>} : memref<65536xf32, #tpu.memory_space<vmem>>, vector<16xf32>,
      %add3A_409 = arith.constant 112 : i32
      %add3A_410 = arith.addi %mul3A_380, %add3A_409 : i32
      %swap3A_411 = arith.index_cast %add3A_410 : i32 to index
      %swap3A_412 = tpu.vector_load %arg8[%swap3A_411] {strides = array<i32>} : memref<65536xf32, #tpu.memory_space<vmem>>, vector<16xf32>,
      tpu.vector_store %arg8[%swap3A_411], %broadcast_in_dim3A_1 {strides = array<i32>} : memref<65536xf32, #tpu.memory_space<vmem>>, vector<16xf32>,
    }
    %scan3A_9 = arith.constant 512 : i32
    %run_scoped3A = arith.constant 0 : i32
    "tpu.region"() ({
      %run_scoped3A_378 = tpu.sem_alloc : memref<!tpu.dma_semaphore, #tpu.memory_space<semaphore_mem>>
      %dma_start3A = arith.constant 0 : i32
      %dma_start3A_379 = tpu.memref_slice %arg2[%add3A, %run_scoped3A, %dma_start3A] : memref<32x2x14464xf32, #tpu.memory_space<hbm>> -> memref<1x1x14464xf32, #tpu.memory_space<hbm>>
      %dma_start3A_380 = tpu.memref_squeeze %dma_start3A_379 : memref<1x1x14464xf32, #tpu.memory_space<hbm>> -> memref<14464xf32, #tpu.memory_space<hbm>>
      %dma_start3A_381 = arith.constant 0 : i32
      %dma_start3A_382 = tpu.memref_slice %arg2[%add3A, %run_scoped3A, %dma_start3A_381] : memref<32x2x14464xf32, #tpu.memory_space<hbm>> -> memref<1x1x14464xf32, #tpu.memory_space<hbm>>
      %dma_start3A_383 = tpu.memref_squeeze %dma_start3A_382 : memref<1x1x14464xf32, #tpu.memory_space<hbm>> -> memref<14464xf32, #tpu.memory_space<hbm>>
      tpu.enqueue_dma source(%dma_start3A_383 : memref<14464xf32, #tpu.memory_space<hbm>>) target(%arg7 : memref<14464xf32, #tpu.memory_space<vmem>>) target_semaphore(%run_scoped3A_378 : memref<!tpu.dma_semaphore, #tpu.memory_space<semaphore_mem>>)
      %dma_wait3A = arith.constant 0 : i32
      %dma_wait3A_384 = tpu.memref_slice %arg2[%add3A, %run_scoped3A, %dma_wait3A] : memref<32x2x14464xf32, #tpu.memory_space<hbm>> -> memref<1x1x14464xf32, #tpu.memory_space<hbm>>
      %dma_wait3A_385 = tpu.memref_squeeze %dma_wait3A_384 : memref<1x1x14464xf32, #tpu.memory_space<hbm>> -> memref<14464xf32, #tpu.memory_space<hbm>>
      %dma_wait3A_386 = arith.constant 0 : i32
      %dma_wait3A_387 = tpu.memref_slice %arg2[%add3A, %run_scoped3A, %dma_wait3A_386] : memref<32x2x14464xf32, #tpu.memory_space<hbm>> -> memref<1x1x14464xf32, #tpu.memory_space<hbm>>
      %dma_wait3A_388 = tpu.memref_squeeze %dma_wait3A_387 : memref<1x1x14464xf32, #tpu.memory_space<hbm>> -> memref<14464xf32, #tpu.memory_space<hbm>>
      tpu.wait_dma2 semaphore(%run_scoped3A_378 : memref<!tpu.dma_semaphore, #tpu.memory_space<semaphore_mem>>) src(%dma_wait3A_388 : memref<14464xf32, #tpu.memory_space<hbm>>) dst(%arg7 : memref<14464xf32, #tpu.memory_space<vmem>>)
      tpu.yield
    }) : () -> ()
    %broadcast_in_dim3A_10 = arith.constant 0xFF800000 : f32
    %broadcast_in_dim3A_11 = vector.broadcast %broadcast_in_dim3A_10 : f32 to vector<16xf32>
    %broadcast_in_dim3A_12 = arith.constant -1.000000e+06 : f32
    %broadcast_in_dim3A_13 = vector.broadcast %broadcast_in_dim3A_12 : f32 to vector<16xf32>
    %scan3A_14 = arith.constant 0 : i32
    %scan3A_15 = arith.constant 113 : i32
    %scan3A_16 = arith.addi %scan3A_14, %scan3A_15 : i32
    %scan3A_17 = arith.constant 1 : i32
    %scan3A_18:2 = scf.for %scan3A_378 = %scan3A_14 to %scan3A_16 step %scan3A_17 iter_args(%scan3A_379 = %broadcast_in_dim3A_11, %scan3A_380 = %broadcast_in_dim3A_13) -> (vector<16xf32>, vector<16xf32>)  : i32 {
      %mul3A_381 = arith.constant 128 : i32
      %mul3A_382 = arith.muli %scan3A_378, %mul3A_381 : i32
      %add3A_383 = arith.constant 0 : i32
      %add3A_384 = arith.addi %mul3A_382, %add3A_383 : i32
      %get3A_385 = arith.index_cast %add3A_384 : i32 to index
      %get3A_386 = tpu.vector_load %arg7[%get3A_385] {strides = array<i32>} : memref<14464xf32, #tpu.memory_space<vmem>>, vector<16xf32>,
      %add3A_387 = arith.constant 0 : i32
      %add3A_388 = vector.broadcast %add3A_387 : i32 to vector<16xi32>
      %add3A_389 = arith.addi %add3A_388, %iota3A : vector<16xi32>
      %mul3A_390 = arith.constant 113 : i32
      %mul3A_391 = arith.muli %scan3A_378, %mul3A_390 : i32
      %neg3A_392 = arith.constant 0 : i32
      %neg3A_393 = arith.subi %neg3A_392, %mul3A_391 : i32
      %sub3A_394 = vector.broadcast %neg3A_393 : i32 to vector<16xi32>
      %sub3A_395 = arith.subi %sub3A_394, %add3A_389 : vector<16xi32>
      %convert_element_type3A_396 = arith.sitofp %sub3A_395 : vector<16xi32> to vector<16xf32>
      %gt3A_397 = arith.cmpf ogt, %get3A_386, %scan3A_379 : vector<16xf32>
      %select_n3A_398 = arith.select %gt3A_397, %get3A_386, %scan3A_379 : vector<16xi1>, vector<16xf32>
      %select_n3A_399 = arith.select %gt3A_397, %convert_element_type3A_396, %scan3A_380 : vector<16xi1>, vector<16xf32>
      %mul3A_400 = arith.constant 128 : i32
      %mul3A_401 = arith.muli %scan3A_378, %mul3A_400 : i32
      %add3A_402 = arith.constant 16 : i32
      %add3A_403 = arith.addi %mul3A_401, %add3A_402 : i32
      %get3A_404 = arith.index_cast %add3A_403 : i32 to index
      %get3A_405 = tpu.vector_load %arg7[%get3A_404] {strides = array<i32>} : memref<14464xf32, #tpu.memory_space<vmem>>, vector<16xf32>,
      %add3A_406 = arith.constant 16 : i32
      %add3A_407 = vector.broadcast %add3A_406 : i32 to vector<16xi32>
      %add3A_408 = arith.addi %add3A_407, %iota3A : vector<16xi32>
      %mul3A_409 = arith.constant 113 : i32
      %mul3A_410 = arith.muli %scan3A_378, %mul3A_409 : i32
      %neg3A_411 = arith.constant 0 : i32
      %neg3A_412 = arith.subi %neg3A_411, %mul3A_410 : i32
      %sub3A_413 = vector.broadcast %neg3A_412 : i32 to vector<16xi32>
      %sub3A_414 = arith.subi %sub3A_413, %add3A_408 : vector<16xi32>
      %convert_element_type3A_415 = arith.sitofp %sub3A_414 : vector<16xi32> to vector<16xf32>
      %gt3A_416 = arith.cmpf ogt, %get3A_405, %select_n3A_398 : vector<16xf32>
      %select_n3A_417 = arith.select %gt3A_416, %get3A_405, %select_n3A_398 : vector<16xi1>, vector<16xf32>
      %select_n3A_418 = arith.select %gt3A_416, %convert_element_type3A_415, %select_n3A_399 : vector<16xi1>, vector<16xf32>
      %mul3A_419 = arith.constant 128 : i32
      %mul3A_420 = arith.muli %scan3A_378, %mul3A_419 : i32
      %add3A_421 = arith.constant 32 : i32
      %add3A_422 = arith.addi %mul3A_420, %add3A_421 : i32
      %get3A_423 = arith.index_cast %add3A_422 : i32 to index
      %get3A_424 = tpu.vector_load %arg7[%get3A_423] {strides = array<i32>} : memref<14464xf32, #tpu.memory_space<vmem>>, vector<16xf32>,
      %add3A_425 = arith.constant 32 : i32
      %add3A_426 = vector.broadcast %add3A_425 : i32 to vector<16xi32>
      %add3A_427 = arith.addi %add3A_426, %iota3A : vector<16xi32>
      %mul3A_428 = arith.constant 113 : i32
      %mul3A_429 = arith.muli %scan3A_378, %mul3A_428 : i32
      %neg3A_430 = arith.constant 0 : i32
      %neg3A_431 = arith.subi %neg3A_430, %mul3A_429 : i32
      %sub3A_432 = vector.broadcast %neg3A_431 : i32 to vector<16xi32>
      %sub3A_433 = arith.subi %sub3A_432, %add3A_427 : vector<16xi32>
      %convert_element_type3A_434 = arith.sitofp %sub3A_433 : vector<16xi32> to vector<16xf32>
      %gt3A_435 = arith.cmpf ogt, %get3A_424, %select_n3A_417 : vector<16xf32>
      %select_n3A_436 = arith.select %gt3A_435, %get3A_424, %select_n3A_417 : vector<16xi1>, vector<16xf32>
      %select_n3A_437 = arith.select %gt3A_435, %convert_element_type3A_434, %select_n3A_418 : vector<16xi1>, vector<16xf32>
      %mul3A_438 = arith.constant 128 : i32
      %mul3A_439 = arith.muli %scan3A_378, %mul3A_438 : i32
      %add3A_440 = arith.constant 48 : i32
      %add3A_441 = arith.addi %mul3A_439, %add3A_440 : i32
      %get3A_442 = arith.index_cast %add3A_441 : i32 to index
      %get3A_443 = tpu.vector_load %arg7[%get3A_442] {strides = array<i32>} : memref<14464xf32, #tpu.memory_space<vmem>>, vector<16xf32>,
      %add3A_444 = arith.constant 48 : i32
      %add3A_445 = vector.broadcast %add3A_444 : i32 to vector<16xi32>
      %add3A_446 = arith.addi %add3A_445, %iota3A : vector<16xi32>
      %mul3A_447 = arith.constant 113 : i32
      %mul3A_448 = arith.muli %scan3A_378, %mul3A_447 : i32
      %neg3A_449 = arith.constant 0 : i32
      %neg3A_450 = arith.subi %neg3A_449, %mul3A_448 : i32
      %sub3A_451 = vector.broadcast %neg3A_450 : i32 to vector<16xi32>
      %sub3A_452 = arith.subi %sub3A_451, %add3A_446 : vector<16xi32>
      %convert_element_type3A_453 = arith.sitofp %sub3A_452 : vector<16xi32> to vector<16xf32>
      %gt3A_454 = arith.cmpf ogt, %get3A_443, %select_n3A_436 : vector<16xf32>
      %select_n3A_455 = arith.select %gt3A_454, %get3A_443, %select_n3A_436 : vector<16xi1>, vector<16xf32>
      %select_n3A_456 = arith.select %gt3A_454, %convert_element_type3A_453, %select_n3A_437 : vector<16xi1>, vector<16xf32>
      %mul3A_457 = arith.constant 128 : i32
      %mul3A_458 = arith.muli %scan3A_378, %mul3A_457 : i32
      %add3A_459 = arith.constant 64 : i32
      %add3A_460 = arith.addi %mul3A_458, %add3A_459 : i32
      %get3A_461 = arith.index_cast %add3A_460 : i32 to index
      %get3A_462 = tpu.vector_load %arg7[%get3A_461] {strides = array<i32>} : memref<14464xf32, #tpu.memory_space<vmem>>, vector<16xf32>,
      %add3A_463 = arith.constant 64 : i32
      %add3A_464 = vector.broadcast %add3A_463 : i32 to vector<16xi32>
      %add3A_465 = arith.addi %add3A_464, %iota3A : vector<16xi32>
      %mul3A_466 = arith.constant 113 : i32
      %mul3A_467 = arith.muli %scan3A_378, %mul3A_466 : i32
      %neg3A_468 = arith.constant 0 : i32
      %neg3A_469 = arith.subi %neg3A_468, %mul3A_467 : i32
      %sub3A_470 = vector.broadcast %neg3A_469 : i32 to vector<16xi32>
      %sub3A_471 = arith.subi %sub3A_470, %add3A_465 : vector<16xi32>
      %convert_element_type3A_472 = arith.sitofp %sub3A_471 : vector<16xi32> to vector<16xf32>
      %gt3A_473 = arith.cmpf ogt, %get3A_462, %select_n3A_455 : vector<16xf32>
      %select_n3A_474 = arith.select %gt3A_473, %get3A_462, %select_n3A_455 : vector<16xi1>, vector<16xf32>
      %select_n3A_475 = arith.select %gt3A_473, %convert_element_type3A_472, %select_n3A_456 : vector<16xi1>, vector<16xf32>
      %mul3A_476 = arith.constant 128 : i32
      %mul3A_477 = arith.muli %scan3A_378, %mul3A_476 : i32
      %add3A_478 = arith.constant 80 : i32
      %add3A_479 = arith.addi %mul3A_477, %add3A_478 : i32
      %get3A_480 = arith.index_cast %add3A_479 : i32 to index
      %get3A_481 = tpu.vector_load %arg7[%get3A_480] {strides = array<i32>} : memref<14464xf32, #tpu.memory_space<vmem>>, vector<16xf32>,
      %add3A_482 = arith.constant 80 : i32
      %add3A_483 = vector.broadcast %add3A_482 : i32 to vector<16xi32>
      %add3A_484 = arith.addi %add3A_483, %iota3A : vector<16xi32>
      %mul3A_485 = arith.constant 113 : i32
      %mul3A_486 = arith.muli %scan3A_378, %mul3A_485 : i32
      %neg3A_487 = arith.constant 0 : i32
      %neg3A_488 = arith.subi %neg3A_487, %mul3A_486 : i32
      %sub3A_489 = vector.broadcast %neg3A_488 : i32 to vector<16xi32>
      %sub3A_490 = arith.subi %sub3A_489, %add3A_484 : vector<16xi32>
      %convert_element_type3A_491 = arith.sitofp %sub3A_490 : vector<16xi32> to vector<16xf32>
      %gt3A_492 = arith.cmpf ogt, %get3A_481, %select_n3A_474 : vector<16xf32>
      %select_n3A_493 = arith.select %gt3A_492, %get3A_481, %select_n3A_474 : vector<16xi1>, vector<16xf32>
      %select_n3A_494 = arith.select %gt3A_492, %convert_element_type3A_491, %select_n3A_475 : vector<16xi1>, vector<16xf32>
      %mul3A_495 = arith.constant 128 : i32
      %mul3A_496 = arith.muli %scan3A_378, %mul3A_495 : i32
      %add3A_497 = arith.constant 96 : i32
      %add3A_498 = arith.addi %mul3A_496, %add3A_497 : i32
      %get3A_499 = arith.index_cast %add3A_498 : i32 to index
      %get3A_500 = tpu.vector_load %arg7[%get3A_499] {strides = array<i32>} : memref<14464xf32, #tpu.memory_space<vmem>>, vector<16xf32>,
      %add3A_501 = arith.constant 96 : i32
      %add3A_502 = vector.broadcast %add3A_501 : i32 to vector<16xi32>
      %add3A_503 = arith.addi %add3A_502, %iota3A : vector<16xi32>
      %mul3A_504 = arith.constant 113 : i32
      %mul3A_505 = arith.muli %scan3A_378, %mul3A_504 : i32
      %neg3A_506 = arith.constant 0 : i32
      %neg3A_507 = arith.subi %neg3A_506, %mul3A_505 : i32
      %sub3A_508 = vector.broadcast %neg3A_507 : i32 to vector<16xi32>
      %sub3A_509 = arith.subi %sub3A_508, %add3A_503 : vector<16xi32>
      %convert_element_type3A_510 = arith.sitofp %sub3A_509 : vector<16xi32> to vector<16xf32>
      %gt3A_511 = arith.cmpf ogt, %get3A_500, %select_n3A_493 : vector<16xf32>
      %select_n3A_512 = arith.select %gt3A_511, %get3A_500, %select_n3A_493 : vector<16xi1>, vector<16xf32>
      %select_n3A_513 = arith.select %gt3A_511, %convert_element_type3A_510, %select_n3A_494 : vector<16xi1>, vector<16xf32>
      %mul3A_514 = arith.constant 128 : i32
      %mul3A_515 = arith.muli %scan3A_378, %mul3A_514 : i32
      %add3A_516 = arith.constant 112 : i32
      %add3A_517 = arith.addi %mul3A_515, %add3A_516 : i32
      %get3A_518 = arith.index_cast %add3A_517 : i32 to index
      %get3A_519 = tpu.vector_load %arg7[%get3A_518] {strides = array<i32>} : memref<14464xf32, #tpu.memory_space<vmem>>, vector<16xf32>,
      %add3A_520 = arith.constant 112 : i32
      %add3A_521 = vector.broadcast %add3A_520 : i32 to vector<16xi32>
      %add3A_522 = arith.addi %add3A_521, %iota3A : vector<16xi32>
      %lt3A_523 = arith.constant 113 : i32
      %lt3A_524 = vector.broadcast %lt3A_523 : i32 to vector<16xi32>
      %lt3A_525 = arith.cmpi slt, %add3A_522, %lt3A_524 : vector<16xi32>
      %jit3A_526 = arith.constant -1.000000e+00 : f32
      %broadcast_in_dim3A_527 = vector.broadcast %jit3A_526 : f32 to vector<16xf32>
      %select_n3A_528 = arith.select %lt3A_525, %get3A_519, %broadcast_in_dim3A_527 : vector<16xi1>, vector<16xf32>
      %mul3A_529 = arith.constant 113 : i32
      %mul3A_530 = arith.muli %scan3A_378, %mul3A_529 : i32
      %neg3A_531 = arith.constant 0 : i32
      %neg3A_532 = arith.subi %neg3A_531, %mul3A_530 : i32
      %sub3A_533 = vector.broadcast %neg3A_532 : i32 to vector<16xi32>
      %sub3A_534 = arith.subi %sub3A_533, %add3A_522 : vector<16xi32>
      %convert_element_type3A_535 = arith.sitofp %sub3A_534 : vector<16xi32> to vector<16xf32>
      %gt3A_536 = arith.cmpf ogt, %select_n3A_528, %select_n3A_512 : vector<16xf32>
      %select_n3A_537 = arith.select %gt3A_536, %select_n3A_528, %select_n3A_512 : vector<16xi1>, vector<16xf32>
      %select_n3A_538 = arith.select %gt3A_536, %convert_element_type3A_535, %select_n3A_513 : vector<16xi1>, vector<16xf32>
      scf.yield %select_n3A_537, %select_n3A_538 : vector<16xf32>, vector<16xf32>
    }
    %scan3A_19 = arith.constant 113 : i32
    %swap3A = arith.constant 0 : index
    %swap3A_20 = tpu.vector_load %arg10[%swap3A] {strides = array<i32>} : memref<16xf32, #tpu.memory_space<vmem>>, vector<16xf32>,
    tpu.vector_store %arg10[%swap3A], %scan3A_18#0 {strides = array<i32>} : memref<16xf32, #tpu.memory_space<vmem>>, vector<16xf32>,
    %swap3A_21 = arith.constant 0 : index
    %swap3A_22 = tpu.vector_load %arg11[%swap3A_21] {strides = array<i32>} : memref<16xf32, #tpu.memory_space<vmem>>, vector<16xf32>,
    tpu.vector_store %arg11[%swap3A_21], %scan3A_18#1 {strides = array<i32>} : memref<16xf32, #tpu.memory_space<vmem>>, vector<16xf32>,
    %xor3A = arith.constant 1 : i32
    %xor3A_23 = vector.broadcast %xor3A : i32 to vector<16xi32>
    %xor3A_24 = arith.xori %iota3A, %xor3A_23 : vector<16xi32>
    %gather3A = tpu.vector_load_idx %arg10[%xor3A_24] : memref<16xf32, #tpu.memory_space<vmem>>[vector<16xi32>], vector<16xf32>,
    %gather3A_25 = tpu.vector_load_idx %arg11[%xor3A_24] : memref<16xf32, #tpu.memory_space<vmem>>[vector<16xi32>], vector<16xf32>,
    %gt3A = arith.cmpf ogt, %gather3A, %scan3A_18#0 : vector<16xf32>
    %eq3A = arith.cmpf oeq, %gather3A, %scan3A_18#0 : vector<16xf32>
    %gt3A_26 = arith.cmpf ogt, %gather3A_25, %scan3A_18#1 : vector<16xf32>
    %and3A = arith.andi %eq3A, %gt3A_26 : vector<16xi1>
    %or3A = arith.ori %gt3A, %and3A : vector<16xi1>
    %select_n3A = arith.select %or3A, %gather3A, %scan3A_18#0 : vector<16xi1>, vector<16xf32>
    %select_n3A_27 = arith.select %or3A, %gather3A_25, %scan3A_18#1 : vector<16xi1>, vector<16xf32>
    %swap3A_28 = arith.constant 0 : index
    %swap3A_29 = tpu.vector_load %arg10[%swap3A_28] {strides = array<i32>} : memref<16xf32, #tpu.memory_space<vmem>>, vector<16xf32>,
    tpu.vector_store %arg10[%swap3A_28], %select_n3A {strides = array<i32>} : memref<16xf32, #tpu.memory_space<vmem>>, vector<16xf32>,
    %swap3A_30 = arith.constant 0 : index
    %swap3A_31 = tpu.vector_load %arg11[%swap3A_30] {strides = array<i32>} : memref<16xf32, #tpu.memory_space<vmem>>, vector<16xf32>,
    tpu.vector_store %arg11[%swap3A_30], %select_n3A_27 {strides = array<i32>} : memref<16xf32, #tpu.memory_space<vmem>>, vector<16xf32>,
    %xor3A_32 = arith.constant 2 : i32
    %xor3A_33 = vector.broadcast %xor3A_32 : i32 to vector<16xi32>
    %xor3A_34 = arith.xori %iota3A, %xor3A_33 : vector<16xi32>
    %gather3A_35 = tpu.vector_load_idx %arg10[%xor3A_34] : memref<16xf32, #tpu.memory_space<vmem>>[vector<16xi32>], vector<16xf32>,
    %gather3A_36 = tpu.vector_load_idx %arg11[%xor3A_34] : memref<16xf32, #tpu.memory_space<vmem>>[vector<16xi32>], vector<16xf32>,
    %gt3A_37 = arith.cmpf ogt, %gather3A_35, %select_n3A : vector<16xf32>
    %eq3A_38 = arith.cmpf oeq, %gather3A_35, %select_n3A : vector<16xf32>
    %gt3A_39 = arith.cmpf ogt, %gather3A_36, %select_n3A_27 : vector<16xf32>
    %and3A_40 = arith.andi %eq3A_38, %gt3A_39 : vector<16xi1>
    %or3A_41 = arith.ori %gt3A_37, %and3A_40 : vector<16xi1>
    %select_n3A_42 = arith.select %or3A_41, %gather3A_35, %select_n3A : vector<16xi1>, vector<16xf32>
    %select_n3A_43 = arith.select %or3A_41, %gather3A_36, %select_n3A_27 : vector<16xi1>, vector<16xf32>
    %swap3A_44 = arith.constant 0 : index
    %swap3A_45 = tpu.vector_load %arg10[%swap3A_44] {strides = array<i32>} : memref<16xf32, #tpu.memory_space<vmem>>, vector<16xf32>,
    tpu.vector_store %arg10[%swap3A_44], %select_n3A_42 {strides = array<i32>} : memref<16xf32, #tpu.memory_space<vmem>>, vector<16xf32>,
    %swap3A_46 = arith.constant 0 : index
    %swap3A_47 = tpu.vector_load %arg11[%swap3A_46] {strides = array<i32>} : memref<16xf32, #tpu.memory_space<vmem>>, vector<16xf32>,
    tpu.vector_store %arg11[%swap3A_46], %select_n3A_43 {strides = array<i32>} : memref<16xf32, #tpu.memory_space<vmem>>, vector<16xf32>,
    %xor3A_48 = arith.constant 4 : i32
    %xor3A_49 = vector.broadcast %xor3A_48 : i32 to vector<16xi32>
    %xor3A_50 = arith.xori %iota3A, %xor3A_49 : vector<16xi32>
    %gather3A_51 = tpu.vector_load_idx %arg10[%xor3A_50] : memref<16xf32, #tpu.memory_space<vmem>>[vector<16xi32>], vector<16xf32>,
    %gather3A_52 = tpu.vector_load_idx %arg11[%xor3A_50] : memref<16xf32, #tpu.memory_space<vmem>>[vector<16xi32>], vector<16xf32>,
    %gt3A_53 = arith.cmpf ogt, %gather3A_51, %select_n3A_42 : vector<16xf32>
    %eq3A_54 = arith.cmpf oeq, %gather3A_51, %select_n3A_42 : vector<16xf32>
    %gt3A_55 = arith.cmpf ogt, %gather3A_52, %select_n3A_43 : vector<16xf32>
    %and3A_56 = arith.andi %eq3A_54, %gt3A_55 : vector<16xi1>
    %or3A_57 = arith.ori %gt3A_53, %and3A_56 : vector<16xi1>
    %select_n3A_58 = arith.select %or3A_57, %gather3A_51, %select_n3A_42 : vector<16xi1>, vector<16xf32>
    %select_n3A_59 = arith.select %or3A_57, %gather3A_52, %select_n3A_43 : vector<16xi1>, vector<16xf32>
    %swap3A_60 = arith.constant 0 : index
    %swap3A_61 = tpu.vector_load %arg10[%swap3A_60] {strides = array<i32>} : memref<16xf32, #tpu.memory_space<vmem>>, vector<16xf32>,
    tpu.vector_store %arg10[%swap3A_60], %select_n3A_58 {strides = array<i32>} : memref<16xf32, #tpu.memory_space<vmem>>, vector<16xf32>,
    %swap3A_62 = arith.constant 0 : index
    %swap3A_63 = tpu.vector_load %arg11[%swap3A_62] {strides = array<i32>} : memref<16xf32, #tpu.memory_space<vmem>>, vector<16xf32>,
    tpu.vector_store %arg11[%swap3A_62], %select_n3A_59 {strides = array<i32>} : memref<16xf32, #tpu.memory_space<vmem>>, vector<16xf32>,
    %xor3A_64 = arith.constant 8 : i32
    %xor3A_65 = vector.broadcast %xor3A_64 : i32 to vector<16xi32>
    %xor3A_66 = arith.xori %iota3A, %xor3A_65 : vector<16xi32>
    %gather3A_67 = tpu.vector_load_idx %arg10[%xor3A_66] : memref<16xf32, #tpu.memory_space<vmem>>[vector<16xi32>], vector<16xf32>,
    %gather3A_68 = tpu.vector_load_idx %arg11[%xor3A_66] : memref<16xf32, #tpu.memory_space<vmem>>[vector<16xi32>], vector<16xf32>,
    %gt3A_69 = arith.cmpf ogt, %gather3A_67, %select_n3A_58 : vector<16xf32>
    %eq3A_70 = arith.cmpf oeq, %gather3A_67, %select_n3A_58 : vector<16xf32>
    %gt3A_71 = arith.cmpf ogt, %gather3A_68, %select_n3A_59 : vector<16xf32>
    %and3A_72 = arith.andi %eq3A_70, %gt3A_71 : vector<16xi1>
    %or3A_73 = arith.ori %gt3A_69, %and3A_72 : vector<16xi1>
    %select_n3A_74 = arith.select %or3A_73, %gather3A_67, %select_n3A_58 : vector<16xi1>, vector<16xf32>
    %select_n3A_75 = arith.select %or3A_73, %gather3A_68, %select_n3A_59 : vector<16xi1>, vector<16xf32>
    %neg3A = arith.constant 0.000000e+00 : f32
    %neg3A_76 = vector.broadcast %neg3A : f32 to vector<16xf32>
    %neg3A_77 = arith.subf %neg3A_76, %select_n3A_75 : vector<16xf32>
    %convert_element_type3A_78 = arith.fptosi %neg3A_77 : vector<16xf32> to vector<16xi32>
    %add3A_79 = arith.addi %convert_element_type3A_78, %convert_element_type3A : vector<16xi32>
    %jit3A = arith.constant 113 : i32
    %eq3A_80 = arith.constant 0 : i32
    %eq3A_81 = arith.cmpi eq, %jit3A, %eq3A_80 : i32
    %jit3A_82 = arith.constant 1 : i32
    %select_n3A_83 = arith.select %eq3A_81, %jit3A_82, %jit3A : i32
    %rem3A = vector.broadcast %select_n3A_83 : i32 to vector<16xi32>
    %rem3A_84 = arith.remsi %add3A_79, %rem3A : vector<16xi32>
    %ne3A = arith.constant 0 : i32
    %ne3A_85 = vector.broadcast %ne3A : i32 to vector<16xi32>
    %ne3A_86 = arith.cmpi ne, %rem3A_84, %ne3A_85 : vector<16xi32>
    %lt3A = arith.constant 0 : i32
    %lt3A_87 = vector.broadcast %lt3A : i32 to vector<16xi32>
    %lt3A_88 = arith.cmpi slt, %rem3A_84, %lt3A_87 : vector<16xi32>
    %lt3A_89 = arith.constant 0 : i32
    %lt3A_90 = arith.cmpi slt, %select_n3A_83, %lt3A_89 : i32
    %ne3A_91 = vector.broadcast %lt3A_90 : i1 to vector<16xi1>
    %ne3A_92 = vector.broadcast %ne3A_91 : vector<16xi1> to vector<16xi1>
    %ne3A_93 = arith.xori %lt3A_88, %ne3A_92 : vector<16xi1>
    %and3A_94 = arith.andi %ne3A_93, %ne3A_86 : vector<16xi1>
    %add3A_95 = vector.broadcast %select_n3A_83 : i32 to vector<16xi32>
    %add3A_96 = arith.addi %rem3A_84, %add3A_95 : vector<16xi32>
    %select_n3A_97 = arith.select %and3A_94, %add3A_96, %rem3A_84 : vector<16xi1>, vector<16xi32>
    %jit3A_98 = arith.constant 113 : i32
    %div3A = vector.broadcast %jit3A_98 : i32 to vector<16xi32>
    %div3A_99 = arith.divsi %add3A_79, %div3A : vector<16xi32>
    %sign3A = arith.constant 0 : i32
    %sign3A_100 = vector.broadcast %sign3A : i32 to vector<16xi32>
    %sign3A_101 = arith.cmpi sgt, %add3A_79, %sign3A_100 : vector<16xi32>
    %sign3A_102 = arith.extui %sign3A_101 : vector<16xi1> to vector<16xi32>
    %sign3A_103 = arith.constant 0 : i32
    %sign3A_104 = vector.broadcast %sign3A_103 : i32 to vector<16xi32>
    %sign3A_105 = arith.cmpi slt, %add3A_79, %sign3A_104 : vector<16xi32>
    %sign3A_106 = arith.extui %sign3A_105 : vector<16xi1> to vector<16xi32>
    %sign3A_107 = arith.subi %sign3A_102, %sign3A_106 : vector<16xi32>
    %sign3A_108 = arith.constant 0 : i32
    %sign3A_109 = arith.cmpi sgt, %jit3A_98, %sign3A_108 : i32
    %sign3A_110 = arith.extui %sign3A_109 : i1 to i32
    %sign3A_111 = arith.constant 0 : i32
    %sign3A_112 = arith.cmpi slt, %jit3A_98, %sign3A_111 : i32
    %sign3A_113 = arith.extui %sign3A_112 : i1 to i32
    %sign3A_114 = arith.subi %sign3A_110, %sign3A_113 : i32
    %ne3A_115 = vector.broadcast %sign3A_114 : i32 to vector<16xi32>
    %ne3A_116 = arith.cmpi ne, %sign3A_107, %ne3A_115 : vector<16xi32>
    %rem3A_117 = vector.broadcast %jit3A_98 : i32 to vector<16xi32>
    %rem3A_118 = arith.remsi %add3A_79, %rem3A_117 : vector<16xi32>
    %ne3A_119 = arith.constant 0 : i32
    %ne3A_120 = vector.broadcast %ne3A_119 : i32 to vector<16xi32>
    %ne3A_121 = arith.cmpi ne, %rem3A_118, %ne3A_120 : vector<16xi32>
    %and3A_122 = arith.andi %ne3A_116, %ne3A_121 : vector<16xi1>
    %sub3A = arith.constant 1 : i32
    %sub3A_123 = vector.broadcast %sub3A : i32 to vector<16xi32>
    %sub3A_124 = arith.subi %div3A_99, %sub3A_123 : vector<16xi32>
    %select_n3A_125 = arith.select %and3A_122, %sub3A_124, %div3A_99 : vector<16xi1>, vector<16xi32>
    %mul3A_126 = arith.constant 2 : i32
    %mul3A_127 = vector.broadcast %mul3A_126 : i32 to vector<16xi32>
    %mul3A_128 = arith.muli %select_n3A_97, %mul3A_127 : vector<16xi32>
    %mul3A_129 = arith.constant 2 : i32
    %mul3A_130 = vector.broadcast %mul3A_129 : i32 to vector<16xi32>
    %mul3A_131 = arith.muli %select_n3A_125, %mul3A_130 : vector<16xi32>
    %add3A_132 = arith.constant 32 : i32
    %add3A_133 = vector.broadcast %add3A_132 : i32 to vector<16xi32>
    %add3A_134 = arith.addi %mul3A_128, %add3A_133 : vector<16xi32>
    %sub3A_135 = arith.constant 1 : i32
    %sub3A_136 = vector.broadcast %sub3A_135 : i32 to vector<16xi32>
    %sub3A_137 = arith.subi %add3A_134, %sub3A_136 : vector<16xi32>
    %min3A = arith.constant 255 : i32
    %min3A_138 = vector.broadcast %min3A : i32 to vector<16xi32>
    %min3A_139 = arith.minsi %sub3A_137, %min3A_138 : vector<16xi32>
    %add3A_140 = arith.constant 32 : i32
    %add3A_141 = vector.broadcast %add3A_140 : i32 to vector<16xi32>
    %add3A_142 = arith.addi %mul3A_131, %add3A_141 : vector<16xi32>
    %sub3A_143 = arith.constant 1 : i32
    %sub3A_144 = vector.broadcast %sub3A_143 : i32 to vector<16xi32>
    %sub3A_145 = arith.subi %add3A_142, %sub3A_144 : vector<16xi32>
    %min3A_146 = arith.constant 255 : i32
    %min3A_147 = vector.broadcast %min3A_146 : i32 to vector<16xi32>
    %min3A_148 = arith.minsi %sub3A_145, %min3A_147 : vector<16xi32>
    %scan3A_149 = arith.constant 0 : i32
    %scan3A_150 = arith.constant 0 : i32
    %scan3A_151 = arith.constant 32 : i32
    %scan3A_152 = arith.addi %scan3A_150, %scan3A_151 : i32
    %scan3A_153 = arith.constant 1 : i32
    scf.for %scan3A_378 = %scan3A_150 to %scan3A_152 step %scan3A_153  : i32 {
      %add3A_379 = vector.broadcast %scan3A_378 : i32 to vector<16xi32>
      %add3A_380 = arith.addi %mul3A_131, %add3A_379 : vector<16xi32>
      %mul3A_381 = arith.constant 256 : i32
      %mul3A_382 = vector.broadcast %mul3A_381 : i32 to vector<16xi32>
      %mul3A_383 = arith.muli %add3A_380, %mul3A_382 : vector<16xi32>
      %add3A_384 = arith.addi %mul3A_383, %mul3A_128 : vector<16xi32>
      %add3A_385 = arith.addi %add3A_384, %iota3A : vector<16xi32>
      tpu.vector_store_idx %arg8[%add3A_385], %broadcast_in_dim3A_3 : memref<65536xf32, #tpu.memory_space<vmem>>[vector<16xi32>], vector<16xf32>,
      %add3A_386 = arith.constant 16 : i32
      %add3A_387 = vector.broadcast %add3A_386 : i32 to vector<16xi32>
      %add3A_388 = arith.addi %add3A_385, %add3A_387 : vector<16xi32>
      tpu.vector_store_idx %arg8[%add3A_388], %broadcast_in_dim3A_3 : memref<65536xf32, #tpu.memory_space<vmem>>[vector<16xi32>], vector<16xf32>,
    }
    %scan3A_154 = arith.constant 32 : i32
    %eq3A_155 = arith.constant 0 : i32
    %eq3A_156 = vector.broadcast %eq3A_155 : i32 to vector<16xi32>
    %eq3A_157 = arith.cmpi eq, %iota3A, %eq3A_156 : vector<16xi32>
    %eq3A_158 = arith.constant 1 : i32
    %eq3A_159 = vector.broadcast %eq3A_158 : i32 to vector<16xi32>
    %eq3A_160 = arith.cmpi eq, %iota3A, %eq3A_159 : vector<16xi32>
    %eq3A_161 = arith.constant 2 : i32
    %eq3A_162 = vector.broadcast %eq3A_161 : i32 to vector<16xi32>
    %eq3A_163 = arith.cmpi eq, %iota3A, %eq3A_162 : vector<16xi32>
    %eq3A_164 = arith.constant 3 : i32
    %eq3A_165 = vector.broadcast %eq3A_164 : i32 to vector<16xi32>
    %eq3A_166 = arith.cmpi eq, %iota3A, %eq3A_165 : vector<16xi32>
    %jit3A_167 = arith.constant 0 : i32
    %broadcast_in_dim3A_168 = vector.broadcast %jit3A_167 : i32 to vector<16xi32>
    %select_n3A_169 = arith.select %eq3A_166, %min3A_148, %broadcast_in_dim3A_168 : vector<16xi1>, vector<16xi32>
    %select_n3A_170 = arith.select %eq3A_163, %mul3A_131, %select_n3A_169 : vector<16xi1>, vector<16xi32>
    %select_n3A_171 = arith.select %eq3A_160, %min3A_139, %select_n3A_170 : vector<16xi1>, vector<16xi32>
    %select_n3A_172 = arith.select %eq3A_157, %mul3A_128, %select_n3A_171 : vector<16xi1>, vector<16xi32>
    %swap3A_173 = arith.constant 0 : index
    %swap3A_174 = tpu.vector_load %arg12[%swap3A_173] {strides = array<i32>} : memref<16xi32, #tpu.memory_space<vmem>>, vector<16xi32>,
    tpu.vector_store %arg12[%swap3A_173], %select_n3A_172 {strides = array<i32>} : memref<16xi32, #tpu.memory_space<vmem>>, vector<16xi32>,
    %run_scoped3A_175 = arith.constant 0 : i32
    "tpu.region"() ({
      %run_scoped3A_378 = tpu.sem_alloc : memref<!tpu.dma_semaphore, #tpu.memory_space<semaphore_mem>>
      %dma_start3A = arith.constant 0 : i32
      %dma_start3A_379 = tpu.memref_slice %arg5[%add3A, %run_scoped3A_175, %dma_start3A] : memref<32x2x16xi32, #tpu.memory_space<hbm>> -> memref<1x1x16xi32, #tpu.memory_space<hbm>>
      %dma_start3A_380 = tpu.memref_squeeze %dma_start3A_379 : memref<1x1x16xi32, #tpu.memory_space<hbm>> -> memref<16xi32, #tpu.memory_space<hbm>>
      %dma_start3A_381 = arith.constant 0 : i32
      %dma_start3A_382 = tpu.memref_slice %arg5[%add3A, %run_scoped3A_175, %dma_start3A_381] : memref<32x2x16xi32, #tpu.memory_space<hbm>> -> memref<1x1x16xi32, #tpu.memory_space<hbm>>
      %dma_start3A_383 = tpu.memref_squeeze %dma_start3A_382 : memref<1x1x16xi32, #tpu.memory_space<hbm>> -> memref<16xi32, #tpu.memory_space<hbm>>
      tpu.enqueue_dma source(%arg12 : memref<16xi32, #tpu.memory_space<vmem>>) target(%dma_start3A_383 : memref<16xi32, #tpu.memory_space<hbm>>) target_semaphore(%run_scoped3A_378 : memref<!tpu.dma_semaphore, #tpu.memory_space<semaphore_mem>>)
      %dma_wait3A = arith.constant 0 : i32
      %dma_wait3A_384 = tpu.memref_slice %arg5[%add3A, %run_scoped3A_175, %dma_wait3A] : memref<32x2x16xi32, #tpu.memory_space<hbm>> -> memref<1x1x16xi32, #tpu.memory_space<hbm>>
      %dma_wait3A_385 = tpu.memref_squeeze %dma_wait3A_384 : memref<1x1x16xi32, #tpu.memory_space<hbm>> -> memref<16xi32, #tpu.memory_space<hbm>>
      %dma_wait3A_386 = arith.constant 0 : i32
      %dma_wait3A_387 = tpu.memref_slice %arg5[%add3A, %run_scoped3A_175, %dma_wait3A_386] : memref<32x2x16xi32, #tpu.memory_space<hbm>> -> memref<1x1x16xi32, #tpu.memory_space<hbm>>
      %dma_wait3A_388 = tpu.memref_squeeze %dma_wait3A_387 : memref<1x1x16xi32, #tpu.memory_space<hbm>> -> memref<16xi32, #tpu.memory_space<hbm>>
      tpu.wait_dma2 semaphore(%run_scoped3A_378 : memref<!tpu.dma_semaphore, #tpu.memory_space<semaphore_mem>>) src(%arg12 : memref<16xi32, #tpu.memory_space<vmem>>) dst(%dma_wait3A_388 : memref<16xi32, #tpu.memory_space<hbm>>)
      tpu.yield
    }) : () -> ()
    %eq3A_176 = arith.constant 0 : i32
    %eq3A_177 = vector.broadcast %eq3A_176 : i32 to vector<16xi32>
    %eq3A_178 = arith.cmpi eq, %iota3A, %eq3A_177 : vector<16xi32>
    %jit3A_179 = arith.constant 0.000000e+00 : f32
    %broadcast_in_dim3A_180 = vector.broadcast %jit3A_179 : f32 to vector<16xf32>
    %select_n3A_181 = arith.select %eq3A_178, %select_n3A_74, %broadcast_in_dim3A_180 : vector<16xi1>, vector<16xf32>
    %swap3A_182 = arith.constant 0 : index
    %swap3A_183 = tpu.vector_load %arg13[%swap3A_182] {strides = array<i32>} : memref<16xf32, #tpu.memory_space<vmem>>, vector<16xf32>,
    tpu.vector_store %arg13[%swap3A_182], %select_n3A_181 {strides = array<i32>} : memref<16xf32, #tpu.memory_space<vmem>>, vector<16xf32>,
    %run_scoped3A_184 = arith.constant 0 : i32
    "tpu.region"() ({
      %run_scoped3A_378 = tpu.sem_alloc : memref<!tpu.dma_semaphore, #tpu.memory_space<semaphore_mem>>
      %dma_start3A = arith.constant 0 : i32
      %dma_start3A_379 = tpu.memref_slice %arg6[%add3A, %run_scoped3A_184, %dma_start3A] : memref<32x2x16xf32, #tpu.memory_space<hbm>> -> memref<1x1x16xf32, #tpu.memory_space<hbm>>
      %dma_start3A_380 = tpu.memref_squeeze %dma_start3A_379 : memref<1x1x16xf32, #tpu.memory_space<hbm>> -> memref<16xf32, #tpu.memory_space<hbm>>
      %dma_start3A_381 = arith.constant 0 : i32
      %dma_start3A_382 = tpu.memref_slice %arg6[%add3A, %run_scoped3A_184, %dma_start3A_381] : memref<32x2x16xf32, #tpu.memory_space<hbm>> -> memref<1x1x16xf32, #tpu.memory_space<hbm>>
      %dma_start3A_383 = tpu.memref_squeeze %dma_start3A_382 : memref<1x1x16xf32, #tpu.memory_space<hbm>> -> memref<16xf32, #tpu.memory_space<hbm>>
      tpu.enqueue_dma source(%arg13 : memref<16xf32, #tpu.memory_space<vmem>>) target(%dma_start3A_383 : memref<16xf32, #tpu.memory_space<hbm>>) target_semaphore(%run_scoped3A_378 : memref<!tpu.dma_semaphore, #tpu.memory_space<semaphore_mem>>)
      %dma_wait3A = arith.constant 0 : i32
      %dma_wait3A_384 = tpu.memref_slice %arg6[%add3A, %run_scoped3A_184, %dma_wait3A] : memref<32x2x16xf32, #tpu.memory_space<hbm>> -> memref<1x1x16xf32, #tpu.memory_space<hbm>>
      %dma_wait3A_385 = tpu.memref_squeeze %dma_wait3A_384 : memref<1x1x16xf32, #tpu.memory_space<hbm>> -> memref<16xf32, #tpu.memory_space<hbm>>
      %dma_wait3A_386 = arith.constant 0 : i32
      %dma_wait3A_387 = tpu.memref_slice %arg6[%add3A, %run_scoped3A_184, %dma_wait3A_386] : memref<32x2x16xf32, #tpu.memory_space<hbm>> -> memref<1x1x16xf32, #tpu.memory_space<hbm>>
      %dma_wait3A_388 = tpu.memref_squeeze %dma_wait3A_387 : memref<1x1x16xf32, #tpu.memory_space<hbm>> -> memref<16xf32, #tpu.memory_space<hbm>>
      tpu.wait_dma2 semaphore(%run_scoped3A_378 : memref<!tpu.dma_semaphore, #tpu.memory_space<semaphore_mem>>) src(%arg13 : memref<16xf32, #tpu.memory_space<vmem>>) dst(%dma_wait3A_388 : memref<16xf32, #tpu.memory_space<hbm>>)
      tpu.yield
    }) : () -> ()
    %run_scoped3A_185 = arith.constant 1 : i32
    "tpu.region"() ({
      %run_scoped3A_378 = tpu.sem_alloc : memref<!tpu.dma_semaphore, #tpu.memory_space<semaphore_mem>>
      %dma_start3A = arith.constant 0 : i32
      %dma_start3A_379 = tpu.memref_slice %arg2[%add3A, %run_scoped3A_185, %dma_start3A] : memref<32x2x14464xf32, #tpu.memory_space<hbm>> -> memref<1x1x14464xf32, #tpu.memory_space<hbm>>
      %dma_start3A_380 = tpu.memref_squeeze %dma_start3A_379 : memref<1x1x14464xf32, #tpu.memory_space<hbm>> -> memref<14464xf32, #tpu.memory_space<hbm>>
      %dma_start3A_381 = arith.constant 0 : i32
      %dma_start3A_382 = tpu.memref_slice %arg2[%add3A, %run_scoped3A_185, %dma_start3A_381] : memref<32x2x14464xf32, #tpu.memory_space<hbm>> -> memref<1x1x14464xf32, #tpu.memory_space<hbm>>
      %dma_start3A_383 = tpu.memref_squeeze %dma_start3A_382 : memref<1x1x14464xf32, #tpu.memory_space<hbm>> -> memref<14464xf32, #tpu.memory_space<hbm>>
      tpu.enqueue_dma source(%dma_start3A_383 : memref<14464xf32, #tpu.memory_space<hbm>>) target(%arg7 : memref<14464xf32, #tpu.memory_space<vmem>>) target_semaphore(%run_scoped3A_378 : memref<!tpu.dma_semaphore, #tpu.memory_space<semaphore_mem>>)
      %dma_wait3A = arith.constant 0 : i32
      %dma_wait3A_384 = tpu.memref_slice %arg2[%add3A, %run_scoped3A_185, %dma_wait3A] : memref<32x2x14464xf32, #tpu.memory_space<hbm>> -> memref<1x1x14464xf32, #tpu.memory_space<hbm>>
      %dma_wait3A_385 = tpu.memref_squeeze %dma_wait3A_384 : memref<1x1x14464xf32, #tpu.memory_space<hbm>> -> memref<14464xf32, #tpu.memory_space<hbm>>
      %dma_wait3A_386 = arith.constant 0 : i32
      %dma_wait3A_387 = tpu.memref_slice %arg2[%add3A, %run_scoped3A_185, %dma_wait3A_386] : memref<32x2x14464xf32, #tpu.memory_space<hbm>> -> memref<1x1x14464xf32, #tpu.memory_space<hbm>>
      %dma_wait3A_388 = tpu.memref_squeeze %dma_wait3A_387 : memref<1x1x14464xf32, #tpu.memory_space<hbm>> -> memref<14464xf32, #tpu.memory_space<hbm>>
      tpu.wait_dma2 semaphore(%run_scoped3A_378 : memref<!tpu.dma_semaphore, #tpu.memory_space<semaphore_mem>>) src(%dma_wait3A_388 : memref<14464xf32, #tpu.memory_space<hbm>>) dst(%arg7 : memref<14464xf32, #tpu.memory_space<vmem>>)
      tpu.yield
    }) : () -> ()
    %broadcast_in_dim3A_186 = arith.constant 0xFF800000 : f32
    %broadcast_in_dim3A_187 = vector.broadcast %broadcast_in_dim3A_186 : f32 to vector<16xf32>
    %broadcast_in_dim3A_188 = arith.constant -1.000000e+06 : f32
    %broadcast_in_dim3A_189 = vector.broadcast %broadcast_in_dim3A_188 : f32 to vector<16xf32>
    %scan3A_190 = arith.constant 0 : i32
    %scan3A_191 = arith.constant 113 : i32
    %scan3A_192 = arith.addi %scan3A_190, %scan3A_191 : i32
    %scan3A_193 = arith.constant 1 : i32
    %scan3A_194:2 = scf.for %scan3A_378 = %scan3A_190 to %scan3A_192 step %scan3A_193 iter_args(%scan3A_379 = %broadcast_in_dim3A_187, %scan3A_380 = %broadcast_in_dim3A_189) -> (vector<16xf32>, vector<16xf32>)  : i32 {
      %mul3A_381 = arith.constant 128 : i32
      %mul3A_382 = arith.muli %scan3A_378, %mul3A_381 : i32
      %add3A_383 = arith.constant 0 : i32
      %add3A_384 = arith.addi %mul3A_382, %add3A_383 : i32
      %get3A_385 = arith.index_cast %add3A_384 : i32 to index
      %get3A_386 = tpu.vector_load %arg7[%get3A_385] {strides = array<i32>} : memref<14464xf32, #tpu.memory_space<vmem>>, vector<16xf32>,
      %add3A_387 = arith.constant 0 : i32
      %add3A_388 = vector.broadcast %add3A_387 : i32 to vector<16xi32>
      %add3A_389 = arith.addi %add3A_388, %iota3A : vector<16xi32>
      %mul3A_390 = arith.constant 113 : i32
      %mul3A_391 = arith.muli %scan3A_378, %mul3A_390 : i32
      %neg3A_392 = arith.constant 0 : i32
      %neg3A_393 = arith.subi %neg3A_392, %mul3A_391 : i32
      %sub3A_394 = vector.broadcast %neg3A_393 : i32 to vector<16xi32>
      %sub3A_395 = arith.subi %sub3A_394, %add3A_389 : vector<16xi32>
      %convert_element_type3A_396 = arith.sitofp %sub3A_395 : vector<16xi32> to vector<16xf32>
      %gt3A_397 = arith.cmpf ogt, %get3A_386, %scan3A_379 : vector<16xf32>
      %select_n3A_398 = arith.select %gt3A_397, %get3A_386, %scan3A_379 : vector<16xi1>, vector<16xf32>
      %select_n3A_399 = arith.select %gt3A_397, %convert_element_type3A_396, %scan3A_380 : vector<16xi1>, vector<16xf32>
      %mul3A_400 = arith.constant 128 : i32
      %mul3A_401 = arith.muli %scan3A_378, %mul3A_400 : i32
      %add3A_402 = arith.constant 16 : i32
      %add3A_403 = arith.addi %mul3A_401, %add3A_402 : i32
      %get3A_404 = arith.index_cast %add3A_403 : i32 to index
      %get3A_405 = tpu.vector_load %arg7[%get3A_404] {strides = array<i32>} : memref<14464xf32, #tpu.memory_space<vmem>>, vector<16xf32>,
      %add3A_406 = arith.constant 16 : i32
      %add3A_407 = vector.broadcast %add3A_406 : i32 to vector<16xi32>
      %add3A_408 = arith.addi %add3A_407, %iota3A : vector<16xi32>
      %mul3A_409 = arith.constant 113 : i32
      %mul3A_410 = arith.muli %scan3A_378, %mul3A_409 : i32
      %neg3A_411 = arith.constant 0 : i32
      %neg3A_412 = arith.subi %neg3A_411, %mul3A_410 : i32
      %sub3A_413 = vector.broadcast %neg3A_412 : i32 to vector<16xi32>
      %sub3A_414 = arith.subi %sub3A_413, %add3A_408 : vector<16xi32>
      %convert_element_type3A_415 = arith.sitofp %sub3A_414 : vector<16xi32> to vector<16xf32>
      %gt3A_416 = arith.cmpf ogt, %get3A_405, %select_n3A_398 : vector<16xf32>
      %select_n3A_417 = arith.select %gt3A_416, %get3A_405, %select_n3A_398 : vector<16xi1>, vector<16xf32>
      %select_n3A_418 = arith.select %gt3A_416, %convert_element_type3A_415, %select_n3A_399 : vector<16xi1>, vector<16xf32>
      %mul3A_419 = arith.constant 128 : i32
      %mul3A_420 = arith.muli %scan3A_378, %mul3A_419 : i32
      %add3A_421 = arith.constant 32 : i32
      %add3A_422 = arith.addi %mul3A_420, %add3A_421 : i32
      %get3A_423 = arith.index_cast %add3A_422 : i32 to index
      %get3A_424 = tpu.vector_load %arg7[%get3A_423] {strides = array<i32>} : memref<14464xf32, #tpu.memory_space<vmem>>, vector<16xf32>,
      %add3A_425 = arith.constant 32 : i32
      %add3A_426 = vector.broadcast %add3A_425 : i32 to vector<16xi32>
      %add3A_427 = arith.addi %add3A_426, %iota3A : vector<16xi32>
      %mul3A_428 = arith.constant 113 : i32
      %mul3A_429 = arith.muli %scan3A_378, %mul3A_428 : i32
      %neg3A_430 = arith.constant 0 : i32
      %neg3A_431 = arith.subi %neg3A_430, %mul3A_429 : i32
      %sub3A_432 = vector.broadcast %neg3A_431 : i32 to vector<16xi32>
      %sub3A_433 = arith.subi %sub3A_432, %add3A_427 : vector<16xi32>
      %convert_element_type3A_434 = arith.sitofp %sub3A_433 : vector<16xi32> to vector<16xf32>
      %gt3A_435 = arith.cmpf ogt, %get3A_424, %select_n3A_417 : vector<16xf32>
      %select_n3A_436 = arith.select %gt3A_435, %get3A_424, %select_n3A_417 : vector<16xi1>, vector<16xf32>
      %select_n3A_437 = arith.select %gt3A_435, %convert_element_type3A_434, %select_n3A_418 : vector<16xi1>, vector<16xf32>
      %mul3A_438 = arith.constant 128 : i32
      %mul3A_439 = arith.muli %scan3A_378, %mul3A_438 : i32
      %add3A_440 = arith.constant 48 : i32
      %add3A_441 = arith.addi %mul3A_439, %add3A_440 : i32
      %get3A_442 = arith.index_cast %add3A_441 : i32 to index
      %get3A_443 = tpu.vector_load %arg7[%get3A_442] {strides = array<i32>} : memref<14464xf32, #tpu.memory_space<vmem>>, vector<16xf32>,
      %add3A_444 = arith.constant 48 : i32
      %add3A_445 = vector.broadcast %add3A_444 : i32 to vector<16xi32>
      %add3A_446 = arith.addi %add3A_445, %iota3A : vector<16xi32>
      %mul3A_447 = arith.constant 113 : i32
      %mul3A_448 = arith.muli %scan3A_378, %mul3A_447 : i32
      %neg3A_449 = arith.constant 0 : i32
      %neg3A_450 = arith.subi %neg3A_449, %mul3A_448 : i32
      %sub3A_451 = vector.broadcast %neg3A_450 : i32 to vector<16xi32>
      %sub3A_452 = arith.subi %sub3A_451, %add3A_446 : vector<16xi32>
      %convert_element_type3A_453 = arith.sitofp %sub3A_452 : vector<16xi32> to vector<16xf32>
      %gt3A_454 = arith.cmpf ogt, %get3A_443, %select_n3A_436 : vector<16xf32>
      %select_n3A_455 = arith.select %gt3A_454, %get3A_443, %select_n3A_436 : vector<16xi1>, vector<16xf32>
      %select_n3A_456 = arith.select %gt3A_454, %convert_element_type3A_453, %select_n3A_437 : vector<16xi1>, vector<16xf32>
      %mul3A_457 = arith.constant 128 : i32
      %mul3A_458 = arith.muli %scan3A_378, %mul3A_457 : i32
      %add3A_459 = arith.constant 64 : i32
      %add3A_460 = arith.addi %mul3A_458, %add3A_459 : i32
      %get3A_461 = arith.index_cast %add3A_460 : i32 to index
      %get3A_462 = tpu.vector_load %arg7[%get3A_461] {strides = array<i32>} : memref<14464xf32, #tpu.memory_space<vmem>>, vector<16xf32>,
      %add3A_463 = arith.constant 64 : i32
      %add3A_464 = vector.broadcast %add3A_463 : i32 to vector<16xi32>
      %add3A_465 = arith.addi %add3A_464, %iota3A : vector<16xi32>
      %mul3A_466 = arith.constant 113 : i32
      %mul3A_467 = arith.muli %scan3A_378, %mul3A_466 : i32
      %neg3A_468 = arith.constant 0 : i32
      %neg3A_469 = arith.subi %neg3A_468, %mul3A_467 : i32
      %sub3A_470 = vector.broadcast %neg3A_469 : i32 to vector<16xi32>
      %sub3A_471 = arith.subi %sub3A_470, %add3A_465 : vector<16xi32>
      %convert_element_type3A_472 = arith.sitofp %sub3A_471 : vector<16xi32> to vector<16xf32>
      %gt3A_473 = arith.cmpf ogt, %get3A_462, %select_n3A_455 : vector<16xf32>
      %select_n3A_474 = arith.select %gt3A_473, %get3A_462, %select_n3A_455 : vector<16xi1>, vector<16xf32>
      %select_n3A_475 = arith.select %gt3A_473, %convert_element_type3A_472, %select_n3A_456 : vector<16xi1>, vector<16xf32>
      %mul3A_476 = arith.constant 128 : i32
      %mul3A_477 = arith.muli %scan3A_378, %mul3A_476 : i32
      %add3A_478 = arith.constant 80 : i32
      %add3A_479 = arith.addi %mul3A_477, %add3A_478 : i32
      %get3A_480 = arith.index_cast %add3A_479 : i32 to index
      %get3A_481 = tpu.vector_load %arg7[%get3A_480] {strides = array<i32>} : memref<14464xf32, #tpu.memory_space<vmem>>, vector<16xf32>,
      %add3A_482 = arith.constant 80 : i32
      %add3A_483 = vector.broadcast %add3A_482 : i32 to vector<16xi32>
      %add3A_484 = arith.addi %add3A_483, %iota3A : vector<16xi32>
      %mul3A_485 = arith.constant 113 : i32
      %mul3A_486 = arith.muli %scan3A_378, %mul3A_485 : i32
      %neg3A_487 = arith.constant 0 : i32
      %neg3A_488 = arith.subi %neg3A_487, %mul3A_486 : i32
      %sub3A_489 = vector.broadcast %neg3A_488 : i32 to vector<16xi32>
      %sub3A_490 = arith.subi %sub3A_489, %add3A_484 : vector<16xi32>
      %convert_element_type3A_491 = arith.sitofp %sub3A_490 : vector<16xi32> to vector<16xf32>
      %gt3A_492 = arith.cmpf ogt, %get3A_481, %select_n3A_474 : vector<16xf32>
      %select_n3A_493 = arith.select %gt3A_492, %get3A_481, %select_n3A_474 : vector<16xi1>, vector<16xf32>
      %select_n3A_494 = arith.select %gt3A_492, %convert_element_type3A_491, %select_n3A_475 : vector<16xi1>, vector<16xf32>
      %mul3A_495 = arith.constant 128 : i32
      %mul3A_496 = arith.muli %scan3A_378, %mul3A_495 : i32
      %add3A_497 = arith.constant 96 : i32
      %add3A_498 = arith.addi %mul3A_496, %add3A_497 : i32
      %get3A_499 = arith.index_cast %add3A_498 : i32 to index
      %get3A_500 = tpu.vector_load %arg7[%get3A_499] {strides = array<i32>} : memref<14464xf32, #tpu.memory_space<vmem>>, vector<16xf32>,
      %add3A_501 = arith.constant 96 : i32
      %add3A_502 = vector.broadcast %add3A_501 : i32 to vector<16xi32>
      %add3A_503 = arith.addi %add3A_502, %iota3A : vector<16xi32>
      %mul3A_504 = arith.constant 113 : i32
      %mul3A_505 = arith.muli %scan3A_378, %mul3A_504 : i32
      %neg3A_506 = arith.constant 0 : i32
      %neg3A_507 = arith.subi %neg3A_506, %mul3A_505 : i32
      %sub3A_508 = vector.broadcast %neg3A_507 : i32 to vector<16xi32>
      %sub3A_509 = arith.subi %sub3A_508, %add3A_503 : vector<16xi32>
      %convert_element_type3A_510 = arith.sitofp %sub3A_509 : vector<16xi32> to vector<16xf32>
      %gt3A_511 = arith.cmpf ogt, %get3A_500, %select_n3A_493 : vector<16xf32>
      %select_n3A_512 = arith.select %gt3A_511, %get3A_500, %select_n3A_493 : vector<16xi1>, vector<16xf32>
      %select_n3A_513 = arith.select %gt3A_511, %convert_element_type3A_510, %select_n3A_494 : vector<16xi1>, vector<16xf32>
      %mul3A_514 = arith.constant 128 : i32
      %mul3A_515 = arith.muli %scan3A_378, %mul3A_514 : i32
      %add3A_516 = arith.constant 112 : i32
      %add3A_517 = arith.addi %mul3A_515, %add3A_516 : i32
      %get3A_518 = arith.index_cast %add3A_517 : i32 to index
      %get3A_519 = tpu.vector_load %arg7[%get3A_518] {strides = array<i32>} : memref<14464xf32, #tpu.memory_space<vmem>>, vector<16xf32>,
      %add3A_520 = arith.constant 112 : i32
      %add3A_521 = vector.broadcast %add3A_520 : i32 to vector<16xi32>
      %add3A_522 = arith.addi %add3A_521, %iota3A : vector<16xi32>
      %lt3A_523 = arith.constant 113 : i32
      %lt3A_524 = vector.broadcast %lt3A_523 : i32 to vector<16xi32>
      %lt3A_525 = arith.cmpi slt, %add3A_522, %lt3A_524 : vector<16xi32>
      %jit3A_526 = arith.constant -1.000000e+00 : f32
      %broadcast_in_dim3A_527 = vector.broadcast %jit3A_526 : f32 to vector<16xf32>
      %select_n3A_528 = arith.select %lt3A_525, %get3A_519, %broadcast_in_dim3A_527 : vector<16xi1>, vector<16xf32>
      %mul3A_529 = arith.constant 113 : i32
      %mul3A_530 = arith.muli %scan3A_378, %mul3A_529 : i32
      %neg3A_531 = arith.constant 0 : i32
      %neg3A_532 = arith.subi %neg3A_531, %mul3A_530 : i32
      %sub3A_533 = vector.broadcast %neg3A_532 : i32 to vector<16xi32>
      %sub3A_534 = arith.subi %sub3A_533, %add3A_522 : vector<16xi32>
      %convert_element_type3A_535 = arith.sitofp %sub3A_534 : vector<16xi32> to vector<16xf32>
      %gt3A_536 = arith.cmpf ogt, %select_n3A_528, %select_n3A_512 : vector<16xf32>
      %select_n3A_537 = arith.select %gt3A_536, %select_n3A_528, %select_n3A_512 : vector<16xi1>, vector<16xf32>
      %select_n3A_538 = arith.select %gt3A_536, %convert_element_type3A_535, %select_n3A_513 : vector<16xi1>, vector<16xf32>
      scf.yield %select_n3A_537, %select_n3A_538 : vector<16xf32>, vector<16xf32>
    }
    %scan3A_195 = arith.constant 113 : i32
    %swap3A_196 = arith.constant 0 : index
    %swap3A_197 = tpu.vector_load %arg10[%swap3A_196] {strides = array<i32>} : memref<16xf32, #tpu.memory_space<vmem>>, vector<16xf32>,
    tpu.vector_store %arg10[%swap3A_196], %scan3A_194#0 {strides = array<i32>} : memref<16xf32, #tpu.memory_space<vmem>>, vector<16xf32>,
    %swap3A_198 = arith.constant 0 : index
    %swap3A_199 = tpu.vector_load %arg11[%swap3A_198] {strides = array<i32>} : memref<16xf32, #tpu.memory_space<vmem>>, vector<16xf32>,
    tpu.vector_store %arg11[%swap3A_198], %scan3A_194#1 {strides = array<i32>} : memref<16xf32, #tpu.memory_space<vmem>>, vector<16xf32>,
    %xor3A_200 = arith.constant 1 : i32
    %xor3A_201 = vector.broadcast %xor3A_200 : i32 to vector<16xi32>
    %xor3A_202 = arith.xori %iota3A, %xor3A_201 : vector<16xi32>
    %gather3A_203 = tpu.vector_load_idx %arg10[%xor3A_202] : memref<16xf32, #tpu.memory_space<vmem>>[vector<16xi32>], vector<16xf32>,
    %gather3A_204 = tpu.vector_load_idx %arg11[%xor3A_202] : memref<16xf32, #tpu.memory_space<vmem>>[vector<16xi32>], vector<16xf32>,
    %gt3A_205 = arith.cmpf ogt, %gather3A_203, %scan3A_194#0 : vector<16xf32>
    %eq3A_206 = arith.cmpf oeq, %gather3A_203, %scan3A_194#0 : vector<16xf32>
    %gt3A_207 = arith.cmpf ogt, %gather3A_204, %scan3A_194#1 : vector<16xf32>
    %and3A_208 = arith.andi %eq3A_206, %gt3A_207 : vector<16xi1>
    %or3A_209 = arith.ori %gt3A_205, %and3A_208 : vector<16xi1>
    %select_n3A_210 = arith.select %or3A_209, %gather3A_203, %scan3A_194#0 : vector<16xi1>, vector<16xf32>
    %select_n3A_211 = arith.select %or3A_209, %gather3A_204, %scan3A_194#1 : vector<16xi1>, vector<16xf32>
    %swap3A_212 = arith.constant 0 : index
    %swap3A_213 = tpu.vector_load %arg10[%swap3A_212] {strides = array<i32>} : memref<16xf32, #tpu.memory_space<vmem>>, vector<16xf32>,
    tpu.vector_store %arg10[%swap3A_212], %select_n3A_210 {strides = array<i32>} : memref<16xf32, #tpu.memory_space<vmem>>, vector<16xf32>,
    %swap3A_214 = arith.constant 0 : index
    %swap3A_215 = tpu.vector_load %arg11[%swap3A_214] {strides = array<i32>} : memref<16xf32, #tpu.memory_space<vmem>>, vector<16xf32>,
    tpu.vector_store %arg11[%swap3A_214], %select_n3A_211 {strides = array<i32>} : memref<16xf32, #tpu.memory_space<vmem>>, vector<16xf32>,
    %xor3A_216 = arith.constant 2 : i32
    %xor3A_217 = vector.broadcast %xor3A_216 : i32 to vector<16xi32>
    %xor3A_218 = arith.xori %iota3A, %xor3A_217 : vector<16xi32>
    %gather3A_219 = tpu.vector_load_idx %arg10[%xor3A_218] : memref<16xf32, #tpu.memory_space<vmem>>[vector<16xi32>], vector<16xf32>,
    %gather3A_220 = tpu.vector_load_idx %arg11[%xor3A_218] : memref<16xf32, #tpu.memory_space<vmem>>[vector<16xi32>], vector<16xf32>,
    %gt3A_221 = arith.cmpf ogt, %gather3A_219, %select_n3A_210 : vector<16xf32>
    %eq3A_222 = arith.cmpf oeq, %gather3A_219, %select_n3A_210 : vector<16xf32>
    %gt3A_223 = arith.cmpf ogt, %gather3A_220, %select_n3A_211 : vector<16xf32>
    %and3A_224 = arith.andi %eq3A_222, %gt3A_223 : vector<16xi1>
    %or3A_225 = arith.ori %gt3A_221, %and3A_224 : vector<16xi1>
    %select_n3A_226 = arith.select %or3A_225, %gather3A_219, %select_n3A_210 : vector<16xi1>, vector<16xf32>
    %select_n3A_227 = arith.select %or3A_225, %gather3A_220, %select_n3A_211 : vector<16xi1>, vector<16xf32>
    %swap3A_228 = arith.constant 0 : index
    %swap3A_229 = tpu.vector_load %arg10[%swap3A_228] {strides = array<i32>} : memref<16xf32, #tpu.memory_space<vmem>>, vector<16xf32>,
    tpu.vector_store %arg10[%swap3A_228], %select_n3A_226 {strides = array<i32>} : memref<16xf32, #tpu.memory_space<vmem>>, vector<16xf32>,
    %swap3A_230 = arith.constant 0 : index
    %swap3A_231 = tpu.vector_load %arg11[%swap3A_230] {strides = array<i32>} : memref<16xf32, #tpu.memory_space<vmem>>, vector<16xf32>,
    tpu.vector_store %arg11[%swap3A_230], %select_n3A_227 {strides = array<i32>} : memref<16xf32, #tpu.memory_space<vmem>>, vector<16xf32>,
    %xor3A_232 = arith.constant 4 : i32
    %xor3A_233 = vector.broadcast %xor3A_232 : i32 to vector<16xi32>
    %xor3A_234 = arith.xori %iota3A, %xor3A_233 : vector<16xi32>
    %gather3A_235 = tpu.vector_load_idx %arg10[%xor3A_234] : memref<16xf32, #tpu.memory_space<vmem>>[vector<16xi32>], vector<16xf32>,
    %gather3A_236 = tpu.vector_load_idx %arg11[%xor3A_234] : memref<16xf32, #tpu.memory_space<vmem>>[vector<16xi32>], vector<16xf32>,
    %gt3A_237 = arith.cmpf ogt, %gather3A_235, %select_n3A_226 : vector<16xf32>
    %eq3A_238 = arith.cmpf oeq, %gather3A_235, %select_n3A_226 : vector<16xf32>
    %gt3A_239 = arith.cmpf ogt, %gather3A_236, %select_n3A_227 : vector<16xf32>
    %and3A_240 = arith.andi %eq3A_238, %gt3A_239 : vector<16xi1>
    %or3A_241 = arith.ori %gt3A_237, %and3A_240 : vector<16xi1>
    %select_n3A_242 = arith.select %or3A_241, %gather3A_235, %select_n3A_226 : vector<16xi1>, vector<16xf32>
    %select_n3A_243 = arith.select %or3A_241, %gather3A_236, %select_n3A_227 : vector<16xi1>, vector<16xf32>
    %swap3A_244 = arith.constant 0 : index
    %swap3A_245 = tpu.vector_load %arg10[%swap3A_244] {strides = array<i32>} : memref<16xf32, #tpu.memory_space<vmem>>, vector<16xf32>,
    tpu.vector_store %arg10[%swap3A_244], %select_n3A_242 {strides = array<i32>} : memref<16xf32, #tpu.memory_space<vmem>>, vector<16xf32>,
    %swap3A_246 = arith.constant 0 : index
    %swap3A_247 = tpu.vector_load %arg11[%swap3A_246] {strides = array<i32>} : memref<16xf32, #tpu.memory_space<vmem>>, vector<16xf32>,
    tpu.vector_store %arg11[%swap3A_246], %select_n3A_243 {strides = array<i32>} : memref<16xf32, #tpu.memory_space<vmem>>, vector<16xf32>,
    %xor3A_248 = arith.constant 8 : i32
    %xor3A_249 = vector.broadcast %xor3A_248 : i32 to vector<16xi32>
    %xor3A_250 = arith.xori %iota3A, %xor3A_249 : vector<16xi32>
    %gather3A_251 = tpu.vector_load_idx %arg10[%xor3A_250] : memref<16xf32, #tpu.memory_space<vmem>>[vector<16xi32>], vector<16xf32>,
    %gather3A_252 = tpu.vector_load_idx %arg11[%xor3A_250] : memref<16xf32, #tpu.memory_space<vmem>>[vector<16xi32>], vector<16xf32>,
    %gt3A_253 = arith.cmpf ogt, %gather3A_251, %select_n3A_242 : vector<16xf32>
    %eq3A_254 = arith.cmpf oeq, %gather3A_251, %select_n3A_242 : vector<16xf32>
    %gt3A_255 = arith.cmpf ogt, %gather3A_252, %select_n3A_243 : vector<16xf32>
    %and3A_256 = arith.andi %eq3A_254, %gt3A_255 : vector<16xi1>
    %or3A_257 = arith.ori %gt3A_253, %and3A_256 : vector<16xi1>
    %select_n3A_258 = arith.select %or3A_257, %gather3A_251, %select_n3A_242 : vector<16xi1>, vector<16xf32>
    %select_n3A_259 = arith.select %or3A_257, %gather3A_252, %select_n3A_243 : vector<16xi1>, vector<16xf32>
    %neg3A_260 = arith.constant 0.000000e+00 : f32
    %neg3A_261 = vector.broadcast %neg3A_260 : f32 to vector<16xf32>
    %neg3A_262 = arith.subf %neg3A_261, %select_n3A_259 : vector<16xf32>
    %convert_element_type3A_263 = arith.fptosi %neg3A_262 : vector<16xf32> to vector<16xi32>
    %add3A_264 = arith.addi %convert_element_type3A_263, %convert_element_type3A : vector<16xi32>
    %jit3A_265 = arith.constant 113 : i32
    %eq3A_266 = arith.constant 0 : i32
    %eq3A_267 = arith.cmpi eq, %jit3A_265, %eq3A_266 : i32
    %jit3A_268 = arith.constant 1 : i32
    %select_n3A_269 = arith.select %eq3A_267, %jit3A_268, %jit3A_265 : i32
    %rem3A_270 = vector.broadcast %select_n3A_269 : i32 to vector<16xi32>
    %rem3A_271 = arith.remsi %add3A_264, %rem3A_270 : vector<16xi32>
    %ne3A_272 = arith.constant 0 : i32
    %ne3A_273 = vector.broadcast %ne3A_272 : i32 to vector<16xi32>
    %ne3A_274 = arith.cmpi ne, %rem3A_271, %ne3A_273 : vector<16xi32>
    %lt3A_275 = arith.constant 0 : i32
    %lt3A_276 = vector.broadcast %lt3A_275 : i32 to vector<16xi32>
    %lt3A_277 = arith.cmpi slt, %rem3A_271, %lt3A_276 : vector<16xi32>
    %lt3A_278 = arith.constant 0 : i32
    %lt3A_279 = arith.cmpi slt, %select_n3A_269, %lt3A_278 : i32
    %ne3A_280 = vector.broadcast %lt3A_279 : i1 to vector<16xi1>
    %ne3A_281 = vector.broadcast %ne3A_280 : vector<16xi1> to vector<16xi1>
    %ne3A_282 = arith.xori %lt3A_277, %ne3A_281 : vector<16xi1>
    %and3A_283 = arith.andi %ne3A_282, %ne3A_274 : vector<16xi1>
    %add3A_284 = vector.broadcast %select_n3A_269 : i32 to vector<16xi32>
    %add3A_285 = arith.addi %rem3A_271, %add3A_284 : vector<16xi32>
    %select_n3A_286 = arith.select %and3A_283, %add3A_285, %rem3A_271 : vector<16xi1>, vector<16xi32>
    %jit3A_287 = arith.constant 113 : i32
    %div3A_288 = vector.broadcast %jit3A_287 : i32 to vector<16xi32>
    %div3A_289 = arith.divsi %add3A_264, %div3A_288 : vector<16xi32>
    %sign3A_290 = arith.constant 0 : i32
    %sign3A_291 = vector.broadcast %sign3A_290 : i32 to vector<16xi32>
    %sign3A_292 = arith.cmpi sgt, %add3A_264, %sign3A_291 : vector<16xi32>
    %sign3A_293 = arith.extui %sign3A_292 : vector<16xi1> to vector<16xi32>
    %sign3A_294 = arith.constant 0 : i32
    %sign3A_295 = vector.broadcast %sign3A_294 : i32 to vector<16xi32>
    %sign3A_296 = arith.cmpi slt, %add3A_264, %sign3A_295 : vector<16xi32>
    %sign3A_297 = arith.extui %sign3A_296 : vector<16xi1> to vector<16xi32>
    %sign3A_298 = arith.subi %sign3A_293, %sign3A_297 : vector<16xi32>
    %sign3A_299 = arith.constant 0 : i32
    %sign3A_300 = arith.cmpi sgt, %jit3A_287, %sign3A_299 : i32
    %sign3A_301 = arith.extui %sign3A_300 : i1 to i32
    %sign3A_302 = arith.constant 0 : i32
    %sign3A_303 = arith.cmpi slt, %jit3A_287, %sign3A_302 : i32
    %sign3A_304 = arith.extui %sign3A_303 : i1 to i32
    %sign3A_305 = arith.subi %sign3A_301, %sign3A_304 : i32
    %ne3A_306 = vector.broadcast %sign3A_305 : i32 to vector<16xi32>
    %ne3A_307 = arith.cmpi ne, %sign3A_298, %ne3A_306 : vector<16xi32>
    %rem3A_308 = vector.broadcast %jit3A_287 : i32 to vector<16xi32>
    %rem3A_309 = arith.remsi %add3A_264, %rem3A_308 : vector<16xi32>
    %ne3A_310 = arith.constant 0 : i32
    %ne3A_311 = vector.broadcast %ne3A_310 : i32 to vector<16xi32>
    %ne3A_312 = arith.cmpi ne, %rem3A_309, %ne3A_311 : vector<16xi32>
    %and3A_313 = arith.andi %ne3A_307, %ne3A_312 : vector<16xi1>
    %sub3A_314 = arith.constant 1 : i32
    %sub3A_315 = vector.broadcast %sub3A_314 : i32 to vector<16xi32>
    %sub3A_316 = arith.subi %div3A_289, %sub3A_315 : vector<16xi32>
    %select_n3A_317 = arith.select %and3A_313, %sub3A_316, %div3A_289 : vector<16xi1>, vector<16xi32>
    %mul3A_318 = arith.constant 2 : i32
    %mul3A_319 = vector.broadcast %mul3A_318 : i32 to vector<16xi32>
    %mul3A_320 = arith.muli %select_n3A_286, %mul3A_319 : vector<16xi32>
    %mul3A_321 = arith.constant 2 : i32
    %mul3A_322 = vector.broadcast %mul3A_321 : i32 to vector<16xi32>
    %mul3A_323 = arith.muli %select_n3A_317, %mul3A_322 : vector<16xi32>
    %add3A_324 = arith.constant 32 : i32
    %add3A_325 = vector.broadcast %add3A_324 : i32 to vector<16xi32>
    %add3A_326 = arith.addi %mul3A_320, %add3A_325 : vector<16xi32>
    %sub3A_327 = arith.constant 1 : i32
    %sub3A_328 = vector.broadcast %sub3A_327 : i32 to vector<16xi32>
    %sub3A_329 = arith.subi %add3A_326, %sub3A_328 : vector<16xi32>
    %min3A_330 = arith.constant 255 : i32
    %min3A_331 = vector.broadcast %min3A_330 : i32 to vector<16xi32>
    %min3A_332 = arith.minsi %sub3A_329, %min3A_331 : vector<16xi32>
    %add3A_333 = arith.constant 32 : i32
    %add3A_334 = vector.broadcast %add3A_333 : i32 to vector<16xi32>
    %add3A_335 = arith.addi %mul3A_323, %add3A_334 : vector<16xi32>
    %sub3A_336 = arith.constant 1 : i32
    %sub3A_337 = vector.broadcast %sub3A_336 : i32 to vector<16xi32>
    %sub3A_338 = arith.subi %add3A_335, %sub3A_337 : vector<16xi32>
    %min3A_339 = arith.constant 255 : i32
    %min3A_340 = vector.broadcast %min3A_339 : i32 to vector<16xi32>
    %min3A_341 = arith.minsi %sub3A_338, %min3A_340 : vector<16xi32>
    %scan3A_342 = arith.constant 0 : i32
    %scan3A_343 = arith.constant 0 : i32
    %scan3A_344 = arith.constant 32 : i32
    %scan3A_345 = arith.addi %scan3A_343, %scan3A_344 : i32
    %scan3A_346 = arith.constant 1 : i32
    scf.for %scan3A_378 = %scan3A_343 to %scan3A_345 step %scan3A_346  : i32 {
      %add3A_379 = vector.broadcast %scan3A_378 : i32 to vector<16xi32>
      %add3A_380 = arith.addi %mul3A_323, %add3A_379 : vector<16xi32>
      %mul3A_381 = arith.constant 256 : i32
      %mul3A_382 = vector.broadcast %mul3A_381 : i32 to vector<16xi32>
      %mul3A_383 = arith.muli %add3A_380, %mul3A_382 : vector<16xi32>
      %add3A_384 = arith.addi %mul3A_383, %mul3A_320 : vector<16xi32>
      %add3A_385 = arith.addi %add3A_384, %iota3A : vector<16xi32>
      tpu.vector_store_idx %arg8[%add3A_385], %broadcast_in_dim3A_3 : memref<65536xf32, #tpu.memory_space<vmem>>[vector<16xi32>], vector<16xf32>,
      %add3A_386 = arith.constant 16 : i32
      %add3A_387 = vector.broadcast %add3A_386 : i32 to vector<16xi32>
      %add3A_388 = arith.addi %add3A_385, %add3A_387 : vector<16xi32>
      tpu.vector_store_idx %arg8[%add3A_388], %broadcast_in_dim3A_3 : memref<65536xf32, #tpu.memory_space<vmem>>[vector<16xi32>], vector<16xf32>,
    }
    %scan3A_347 = arith.constant 32 : i32
    %eq3A_348 = arith.constant 0 : i32
    %eq3A_349 = vector.broadcast %eq3A_348 : i32 to vector<16xi32>
    %eq3A_350 = arith.cmpi eq, %iota3A, %eq3A_349 : vector<16xi32>
    %eq3A_351 = arith.constant 1 : i32
    %eq3A_352 = vector.broadcast %eq3A_351 : i32 to vector<16xi32>
    %eq3A_353 = arith.cmpi eq, %iota3A, %eq3A_352 : vector<16xi32>
    %eq3A_354 = arith.constant 2 : i32
    %eq3A_355 = vector.broadcast %eq3A_354 : i32 to vector<16xi32>
    %eq3A_356 = arith.cmpi eq, %iota3A, %eq3A_355 : vector<16xi32>
    %eq3A_357 = arith.constant 3 : i32
    %eq3A_358 = vector.broadcast %eq3A_357 : i32 to vector<16xi32>
    %eq3A_359 = arith.cmpi eq, %iota3A, %eq3A_358 : vector<16xi32>
    %jit3A_360 = arith.constant 0 : i32
    %broadcast_in_dim3A_361 = vector.broadcast %jit3A_360 : i32 to vector<16xi32>
    %select_n3A_362 = arith.select %eq3A_359, %min3A_341, %broadcast_in_dim3A_361 : vector<16xi1>, vector<16xi32>
    %select_n3A_363 = arith.select %eq3A_356, %mul3A_323, %select_n3A_362 : vector<16xi1>, vector<16xi32>
    %select_n3A_364 = arith.select %eq3A_353, %min3A_332, %select_n3A_363 : vector<16xi1>, vector<16xi32>
    %select_n3A_365 = arith.select %eq3A_350, %mul3A_320, %select_n3A_364 : vector<16xi1>, vector<16xi32>
    %swap3A_366 = arith.constant 0 : index
    %swap3A_367 = tpu.vector_load %arg12[%swap3A_366] {strides = array<i32>} : memref<16xi32, #tpu.memory_space<vmem>>, vector<16xi32>,
    tpu.vector_store %arg12[%swap3A_366], %select_n3A_365 {strides = array<i32>} : memref<16xi32, #tpu.memory_space<vmem>>, vector<16xi32>,
    %run_scoped3A_368 = arith.constant 1 : i32
    "tpu.region"() ({
      %run_scoped3A_378 = tpu.sem_alloc : memref<!tpu.dma_semaphore, #tpu.memory_space<semaphore_mem>>
      %dma_start3A = arith.constant 0 : i32
      %dma_start3A_379 = tpu.memref_slice %arg5[%add3A, %run_scoped3A_368, %dma_start3A] : memref<32x2x16xi32, #tpu.memory_space<hbm>> -> memref<1x1x16xi32, #tpu.memory_space<hbm>>
      %dma_start3A_380 = tpu.memref_squeeze %dma_start3A_379 : memref<1x1x16xi32, #tpu.memory_space<hbm>> -> memref<16xi32, #tpu.memory_space<hbm>>
      %dma_start3A_381 = arith.constant 0 : i32
      %dma_start3A_382 = tpu.memref_slice %arg5[%add3A, %run_scoped3A_368, %dma_start3A_381] : memref<32x2x16xi32, #tpu.memory_space<hbm>> -> memref<1x1x16xi32, #tpu.memory_space<hbm>>
      %dma_start3A_383 = tpu.memref_squeeze %dma_start3A_382 : memref<1x1x16xi32, #tpu.memory_space<hbm>> -> memref<16xi32, #tpu.memory_space<hbm>>
      tpu.enqueue_dma source(%arg12 : memref<16xi32, #tpu.memory_space<vmem>>) target(%dma_start3A_383 : memref<16xi32, #tpu.memory_space<hbm>>) target_semaphore(%run_scoped3A_378 : memref<!tpu.dma_semaphore, #tpu.memory_space<semaphore_mem>>)
      %dma_wait3A = arith.constant 0 : i32
      %dma_wait3A_384 = tpu.memref_slice %arg5[%add3A, %run_scoped3A_368, %dma_wait3A] : memref<32x2x16xi32, #tpu.memory_space<hbm>> -> memref<1x1x16xi32, #tpu.memory_space<hbm>>
      %dma_wait3A_385 = tpu.memref_squeeze %dma_wait3A_384 : memref<1x1x16xi32, #tpu.memory_space<hbm>> -> memref<16xi32, #tpu.memory_space<hbm>>
      %dma_wait3A_386 = arith.constant 0 : i32
      %dma_wait3A_387 = tpu.memref_slice %arg5[%add3A, %run_scoped3A_368, %dma_wait3A_386] : memref<32x2x16xi32, #tpu.memory_space<hbm>> -> memref<1x1x16xi32, #tpu.memory_space<hbm>>
      %dma_wait3A_388 = tpu.memref_squeeze %dma_wait3A_387 : memref<1x1x16xi32, #tpu.memory_space<hbm>> -> memref<16xi32, #tpu.memory_space<hbm>>
      tpu.wait_dma2 semaphore(%run_scoped3A_378 : memref<!tpu.dma_semaphore, #tpu.memory_space<semaphore_mem>>) src(%arg12 : memref<16xi32, #tpu.memory_space<vmem>>) dst(%dma_wait3A_388 : memref<16xi32, #tpu.memory_space<hbm>>)
      tpu.yield
    }) : () -> ()
    %eq3A_369 = arith.constant 0 : i32
    %eq3A_370 = vector.broadcast %eq3A_369 : i32 to vector<16xi32>
    %eq3A_371 = arith.cmpi eq, %iota3A, %eq3A_370 : vector<16xi32>
    %jit3A_372 = arith.constant 0.000000e+00 : f32
    %broadcast_in_dim3A_373 = vector.broadcast %jit3A_372 : f32 to vector<16xf32>
    %select_n3A_374 = arith.select %eq3A_371, %select_n3A_258, %broadcast_in_dim3A_373 : vector<16xi1>, vector<16xf32>
    %swap3A_375 = arith.constant 0 : index
    %swap3A_376 = tpu.vector_load %arg13[%swap3A_375] {strides = array<i32>} : memref<16xf32, #tpu.memory_space<vmem>>, vector<16xf32>,
    tpu.vector_store %arg13[%swap3A_375], %select_n3A_374 {strides = array<i32>} : memref<16xf32, #tpu.memory_space<vmem>>, vector<16xf32>,
    %run_scoped3A_377 = arith.constant 1 : i32
    "tpu.region"() ({
      %run_scoped3A_378 = tpu.sem_alloc : memref<!tpu.dma_semaphore, #tpu.memory_space<semaphore_mem>>
      %dma_start3A = arith.constant 0 : i32
      %dma_start3A_379 = tpu.memref_slice %arg6[%add3A, %run_scoped3A_377, %dma_start3A] : memref<32x2x16xf32, #tpu.memory_space<hbm>> -> memref<1x1x16xf32, #tpu.memory_space<hbm>>
      %dma_start3A_380 = tpu.memref_squeeze %dma_start3A_379 : memref<1x1x16xf32, #tpu.memory_space<hbm>> -> memref<16xf32, #tpu.memory_space<hbm>>
      %dma_start3A_381 = arith.constant 0 : i32
      %dma_start3A_382 = tpu.memref_slice %arg6[%add3A, %run_scoped3A_377, %dma_start3A_381] : memref<32x2x16xf32, #tpu.memory_space<hbm>> -> memref<1x1x16xf32, #tpu.memory_space<hbm>>
      %dma_start3A_383 = tpu.memref_squeeze %dma_start3A_382 : memref<1x1x16xf32, #tpu.memory_space<hbm>> -> memref<16xf32, #tpu.memory_space<hbm>>
      tpu.enqueue_dma source(%arg13 : memref<16xf32, #tpu.memory_space<vmem>>) target(%dma_start3A_383 : memref<16xf32, #tpu.memory_space<hbm>>) target_semaphore(%run_scoped3A_378 : memref<!tpu.dma_semaphore, #tpu.memory_space<semaphore_mem>>)
      %dma_wait3A = arith.constant 0 : i32
      %dma_wait3A_384 = tpu.memref_slice %arg6[%add3A, %run_scoped3A_377, %dma_wait3A] : memref<32x2x16xf32, #tpu.memory_space<hbm>> -> memref<1x1x16xf32, #tpu.memory_space<hbm>>
      %dma_wait3A_385 = tpu.memref_squeeze %dma_wait3A_384 : memref<1x1x16xf32, #tpu.memory_space<hbm>> -> memref<16xf32, #tpu.memory_space<hbm>>
      %dma_wait3A_386 = arith.constant 0 : i32
      %dma_wait3A_387 = tpu.memref_slice %arg6[%add3A, %run_scoped3A_377, %dma_wait3A_386] : memref<32x2x16xf32, #tpu.memory_space<hbm>> -> memref<1x1x16xf32, #tpu.memory_space<hbm>>
      %dma_wait3A_388 = tpu.memref_squeeze %dma_wait3A_387 : memref<1x1x16xf32, #tpu.memory_space<hbm>> -> memref<16xf32, #tpu.memory_space<hbm>>
      tpu.wait_dma2 semaphore(%run_scoped3A_378 : memref<!tpu.dma_semaphore, #tpu.memory_space<semaphore_mem>>) src(%arg13 : memref<16xf32, #tpu.memory_space<vmem>>) dst(%dma_wait3A_388 : memref<16xf32, #tpu.memory_space<hbm>>)
      tpu.yield
    }) : () -> ()
    "tpu.region"() ({
      %run_scoped3A_378 = tpu.sem_alloc : memref<!tpu.dma_semaphore, #tpu.memory_space<semaphore_mem>>
      %dma_start3A = arith.constant 0 : i32
      %dma_start3A_379 = tpu.memref_slice %arg4[%add3A, %dma_start3A] : memref<32x65536xf32, #tpu.memory_space<hbm>> -> memref<1x65536xf32, #tpu.memory_space<hbm>>
      %dma_start3A_380 = tpu.memref_squeeze %dma_start3A_379 : memref<1x65536xf32, #tpu.memory_space<hbm>> -> memref<65536xf32, #tpu.memory_space<hbm>>
      %dma_start3A_381 = arith.constant 0 : i32
      %dma_start3A_382 = tpu.memref_slice %arg4[%add3A, %dma_start3A_381] : memref<32x65536xf32, #tpu.memory_space<hbm>> -> memref<1x65536xf32, #tpu.memory_space<hbm>>
      %dma_start3A_383 = tpu.memref_squeeze %dma_start3A_382 : memref<1x65536xf32, #tpu.memory_space<hbm>> -> memref<65536xf32, #tpu.memory_space<hbm>>
      tpu.enqueue_dma source(%arg8 : memref<65536xf32, #tpu.memory_space<vmem>>) target(%dma_start3A_383 : memref<65536xf32, #tpu.memory_space<hbm>>) target_semaphore(%run_scoped3A_378 : memref<!tpu.dma_semaphore, #tpu.memory_space<semaphore_mem>>)
      %dma_wait3A = arith.constant 0 : i32
      %dma_wait3A_384 = tpu.memref_slice %arg4[%add3A, %dma_wait3A] : memref<32x65536xf32, #tpu.memory_space<hbm>> -> memref<1x65536xf32, #tpu.memory_space<hbm>>
      %dma_wait3A_385 = tpu.memref_squeeze %dma_wait3A_384 : memref<1x65536xf32, #tpu.memory_space<hbm>> -> memref<65536xf32, #tpu.memory_space<hbm>>
      %dma_wait3A_386 = arith.constant 0 : i32
      %dma_wait3A_387 = tpu.memref_slice %arg4[%add3A, %dma_wait3A_386] : memref<32x65536xf32, #tpu.memory_space<hbm>> -> memref<1x65536xf32, #tpu.memory_space<hbm>>
      %dma_wait3A_388 = tpu.memref_squeeze %dma_wait3A_387 : memref<1x65536xf32, #tpu.memory_space<hbm>> -> memref<65536xf32, #tpu.memory_space<hbm>>
      tpu.wait_dma2 semaphore(%run_scoped3A_378 : memref<!tpu.dma_semaphore, #tpu.memory_space<semaphore_mem>>) src(%arg8 : memref<65536xf32, #tpu.memory_space<vmem>>) dst(%dma_wait3A_388 : memref<65536xf32, #tpu.memory_space<hbm>>)
      tpu.yield
    }) : () -> ()
    return
  }
}

module attributes {stable_mosaic.version = 14 : i64} {
  func.func @_pool_tc_body(%arg0: i32, %arg1: memref<1x2x256x256xf32, #tpu.memory_space<vmem>>, %arg2: memref<1x2x113x128xf32, #tpu.memory_space<vmem>>) attributes {dimension_semantics = [#tpu.dimension_semantics<arbitrary>], iteration_bounds = array<i64: 32>, scalar_prefetch = 0 : i64, scratch_operands = 0 : i64, tpu.core_type = #tpu.core_type<tc>, window_params = [{transform_indices = @transform_0, window_bounds = array<i64: 1, 2, 256, 256>}, {transform_indices = @transform_1, window_bounds = array<i64: 1, 2, 113, 128>}]} {
    %get3A = arith.constant 0 : index
    %get3A_0 = arith.constant 0 : index
    %get3A_1 = arith.constant 0 : index
    %get3A_2 = arith.constant 0 : index
    %get3A_3 = vector.load %arg1[%get3A, %get3A_0, %get3A_1, %get3A_2] : memref<1x2x256x256xf32, #tpu.memory_space<vmem>>, vector<1x1x256x256xf32>
    %get3A_4 = vector.shape_cast %get3A_3 : vector<1x1x256x256xf32> to vector<256x256xf32>
    %get3A_5 = arith.constant 0 : index
    %get3A_6 = arith.constant 1 : index
    %get3A_7 = arith.constant 0 : index
    %get3A_8 = arith.constant 0 : index
    %get3A_9 = vector.load %arg1[%get3A_5, %get3A_6, %get3A_7, %get3A_8] : memref<1x2x256x256xf32, #tpu.memory_space<vmem>>, vector<1x1x256x256xf32>
    %get3A_10 = vector.shape_cast %get3A_9 : vector<1x1x256x256xf32> to vector<256x256xf32>
    %max3A = arith.maximumf %get3A_4, %get3A_10 : vector<256x256xf32>
    %sub3A = arith.subf %get3A_4, %max3A : vector<256x256xf32>
    %exp3A = math.exp %sub3A : vector<256x256xf32>
    %sub3A_11 = arith.subf %get3A_10, %max3A : vector<256x256xf32>
    %exp3A_12 = math.exp %sub3A_11 : vector<256x256xf32>
    %add3A = arith.addf %exp3A, %exp3A_12 : vector<256x256xf32>
    %iota3A = tpu.iota {dimensions = array<i32: 0>} : vector<128x256xi32>
    %iota3A_13 = tpu.iota {dimensions = array<i32: 1>} : vector<128x256xi32>
    %mul3A = arith.constant 2 : i32
    %mul3A_14 = vector.broadcast %mul3A : i32 to vector<128x256xi32>
    %mul3A_15 = arith.muli %mul3A_14, %iota3A : vector<128x256xi32>
    %ge3A = arith.cmpi sge, %iota3A_13, %mul3A_15 : vector<128x256xi32>
    %mul3A_16 = arith.constant 2 : i32
    %mul3A_17 = vector.broadcast %mul3A_16 : i32 to vector<128x256xi32>
    %mul3A_18 = arith.muli %mul3A_17, %iota3A : vector<128x256xi32>
    %add3A_19 = arith.constant 32 : i32
    %add3A_20 = vector.broadcast %add3A_19 : i32 to vector<128x256xi32>
    %add3A_21 = arith.addi %mul3A_18, %add3A_20 : vector<128x256xi32>
    %lt3A = arith.cmpi slt, %iota3A_13, %add3A_21 : vector<128x256xi32>
    %and3A = arith.andi %ge3A, %lt3A : vector<128x256xi1>
    %convert_element_type3A = arith.extui %and3A : vector<128x256xi1> to vector<128x256xi32>
    %convert_element_type3A_22 = arith.sitofp %convert_element_type3A : vector<128x256xi32> to vector<128x256xf32>
    %iota3A_23 = tpu.iota {dimensions = array<i32: 0>} : vector<256x128xi32>
    %iota3A_24 = tpu.iota {dimensions = array<i32: 1>} : vector<256x128xi32>
    %mul3A_25 = arith.constant 2 : i32
    %mul3A_26 = vector.broadcast %mul3A_25 : i32 to vector<256x128xi32>
    %mul3A_27 = arith.muli %mul3A_26, %iota3A_24 : vector<256x128xi32>
    %ge3A_28 = arith.cmpi sge, %iota3A_23, %mul3A_27 : vector<256x128xi32>
    %mul3A_29 = arith.constant 2 : i32
    %mul3A_30 = vector.broadcast %mul3A_29 : i32 to vector<256x128xi32>
    %mul3A_31 = arith.muli %mul3A_30, %iota3A_24 : vector<256x128xi32>
    %add3A_32 = arith.constant 32 : i32
    %add3A_33 = vector.broadcast %add3A_32 : i32 to vector<256x128xi32>
    %add3A_34 = arith.addi %mul3A_31, %add3A_33 : vector<256x128xi32>
    %lt3A_35 = arith.cmpi slt, %iota3A_23, %add3A_34 : vector<256x128xi32>
    %and3A_36 = arith.andi %ge3A_28, %lt3A_35 : vector<256x128xi1>
    %lt3A_37 = arith.constant 113 : i32
    %lt3A_38 = vector.broadcast %lt3A_37 : i32 to vector<256x128xi32>
    %lt3A_39 = arith.cmpi slt, %iota3A_24, %lt3A_38 : vector<256x128xi32>
    %and3A_40 = arith.andi %and3A_36, %lt3A_39 : vector<256x128xi1>
    %convert_element_type3A_41 = arith.extui %and3A_40 : vector<256x128xi1> to vector<256x128xi32>
    %convert_element_type3A_42 = arith.sitofp %convert_element_type3A_41 : vector<256x128xi32> to vector<256x128xf32>
    %div3A = arith.divf %exp3A, %add3A : vector<256x256xf32>
    %div3A_43 = arith.divf %exp3A_12, %add3A : vector<256x256xf32>
    %dot_general3A = arith.constant dense<0.000000e+00> : vector<256x128xf32>
    %dot_general3A_44 = tpu.matmul %div3A, %convert_element_type3A_42, %dot_general3A {dimension_numbers = #tpu.dot_dimension_numbers<[1], [0], [0], [1], [0, 0, 1, 1], [], []>, precision = #tpu.contract_precision<fp32>, transpose_lhs_hint = false} : vector<256x256xf32>, vector<256x128xf32>, vector<256x128xf32> -> vector<256x128xf32>
    %dot_general3A_45 = arith.constant dense<0.000000e+00> : vector<128x128xf32>
    %dot_general3A_46 = tpu.matmul %convert_element_type3A_22, %dot_general3A_44, %dot_general3A_45 {dimension_numbers = #tpu.dot_dimension_numbers<[1], [0], [0], [1], [0, 0, 1, 1], [], []>, precision = #tpu.contract_precision<fp32>, transpose_lhs_hint = false} : vector<128x256xf32>, vector<256x128xf32>, vector<128x128xf32> -> vector<128x128xf32>
    %mul3A_47 = arith.constant 9.765625E-4 : f32
    %mul3A_48 = vector.broadcast %mul3A_47 : f32 to vector<128x128xf32>
    %mul3A_49 = arith.mulf %dot_general3A_46, %mul3A_48 : vector<128x128xf32>
    %slice3A = vector.extract_strided_slice %mul3A_49 {offsets = [0, 0], sizes = [113, 128], strides = [1, 1]} : vector<128x128xf32> to vector<113x128xf32>
    %swap3A = arith.constant 0 : index
    %swap3A_50 = arith.constant 0 : index
    %swap3A_51 = arith.constant 0 : index
    %swap3A_52 = arith.constant 0 : index
    %swap3A_53 = vector.load %arg2[%swap3A, %swap3A_50, %swap3A_51, %swap3A_52] : memref<1x2x113x128xf32, #tpu.memory_space<vmem>>, vector<1x1x113x128xf32>
    %swap3A_54 = vector.shape_cast %swap3A_53 : vector<1x1x113x128xf32> to vector<113x128xf32>
    %swap3A_55 = vector.shape_cast %slice3A : vector<113x128xf32> to vector<1x1x113x128xf32>
    tpu.vector_store %arg2[%swap3A, %swap3A_50, %swap3A_51, %swap3A_52], %swap3A_55 {strides = array<i32>} : memref<1x2x113x128xf32, #tpu.memory_space<vmem>>, vector<1x1x113x128xf32>,
    %dot_general3A_56 = arith.constant dense<0.000000e+00> : vector<256x128xf32>
    %dot_general3A_57 = tpu.matmul %div3A_43, %convert_element_type3A_42, %dot_general3A_56 {dimension_numbers = #tpu.dot_dimension_numbers<[1], [0], [0], [1], [0, 0, 1, 1], [], []>, precision = #tpu.contract_precision<fp32>, transpose_lhs_hint = false} : vector<256x256xf32>, vector<256x128xf32>, vector<256x128xf32> -> vector<256x128xf32>
    %dot_general3A_58 = arith.constant dense<0.000000e+00> : vector<128x128xf32>
    %dot_general3A_59 = tpu.matmul %convert_element_type3A_22, %dot_general3A_57, %dot_general3A_58 {dimension_numbers = #tpu.dot_dimension_numbers<[1], [0], [0], [1], [0, 0, 1, 1], [], []>, precision = #tpu.contract_precision<fp32>, transpose_lhs_hint = false} : vector<128x256xf32>, vector<256x128xf32>, vector<128x128xf32> -> vector<128x128xf32>
    %mul3A_60 = arith.constant 9.765625E-4 : f32
    %mul3A_61 = vector.broadcast %mul3A_60 : f32 to vector<128x128xf32>
    %mul3A_62 = arith.mulf %dot_general3A_59, %mul3A_61 : vector<128x128xf32>
    %slice3A_63 = vector.extract_strided_slice %mul3A_62 {offsets = [0, 0], sizes = [113, 128], strides = [1, 1]} : vector<128x128xf32> to vector<113x128xf32>
    %swap3A_64 = arith.constant 0 : index
    %swap3A_65 = arith.constant 1 : index
    %swap3A_66 = arith.constant 0 : index
    %swap3A_67 = arith.constant 0 : index
    %swap3A_68 = vector.load %arg2[%swap3A_64, %swap3A_65, %swap3A_66, %swap3A_67] : memref<1x2x113x128xf32, #tpu.memory_space<vmem>>, vector<1x1x113x128xf32>
    %swap3A_69 = vector.shape_cast %swap3A_68 : vector<1x1x113x128xf32> to vector<113x128xf32>
    %swap3A_70 = vector.shape_cast %slice3A_63 : vector<113x128xf32> to vector<1x1x113x128xf32>
    tpu.vector_store %arg2[%swap3A_64, %swap3A_65, %swap3A_66, %swap3A_67], %swap3A_70 {strides = array<i32>} : memref<1x2x113x128xf32, #tpu.memory_space<vmem>>, vector<1x1x113x128xf32>,
    return
  }
  func.func @transform_0(%arg0: i32) -> (i32, i32, i32, i32) {
    %c0_i32 = arith.constant 0 : i32
    %c0_i32_0 = arith.constant 0 : i32
    %c0_i32_1 = arith.constant 0 : i32
    %c0_i32_2 = arith.constant 0 : i32
    return %arg0, %c0_i32, %c0_i32_0, %c0_i32_1 : i32, i32, i32, i32
  }
  func.func @transform_1(%arg0: i32) -> (i32, i32, i32, i32) {
    %c0_i32 = arith.constant 0 : i32
    %c0_i32_0 = arith.constant 0 : i32
    %c0_i32_1 = arith.constant 0 : i32
    %c0_i32_2 = arith.constant 0 : i32
    return %arg0, %c0_i32, %c0_i32_0, %c0_i32_1 : i32, i32, i32, i32
  }
}

</mosaic_0001>

<sc_bundles>
// kernel: kernel.4.cloned.1.call-start
scs
__scs_entry_jumppad:
0x0: {  	(pc) =	sbr.rel $0x88, $3  }
0x1: {  	(tag) =	ssettag $0x0;
	lr =	simm.s32 $0x1  }
0x2: {  	[smem:$0x3F9F] =	sst lr;
	_ =	strace $0xD0000000  }
0x3: {  	_ = 	snop  }
0x4: {  	_ = 	snop  }
0x5: {  	_ = 	snop  }
0x6: {  	_ = 	snop  }
0x7: {  	_ = 	snop  }
__scs_overlays_trampoline_lowered:
0x8: {  	[smem:$0x3FAE] =	sst s0  }
0x9: {  	[smem:$0x3FAF] =	sst s1  }
0xa: {  	[smem:$0x3FB0] =	sst s2  }
0xb: {  	[smem:$0x3FB1] =	sst s3  }
0xc: {  	[smem:$0x3FB2] =	sst s4  }
0xd: {  	[smem:$0x3FB3] =	sst s5  }
0xe: {  	[smem:$0x3FB4] =	sst s6  }
0xf: {  	[smem:$0x3FB5] =	sst s7  }
0x10: {  	[smem:$0x3FB6] =	sst s8  }
0x11: {  	[smem:$0x3FB7] =	sst s9;
	s0 =	simm.s32 @!p0 $0x0  }
0x12: {  	s1 =	sld [smem:$0x3F9D];
	s0 =	simm.s32 @p0 $0x1  }
0x13: {  	[smem:$0x3FB8] =	sst s0;
	s0 =	simm.s32 @!p1 $0x0  }
0x14: {  	s2 =	sld [smem:$0x3F9C];
	s0 =	simm.s32 @p1 $0x1  }
0x15: {  	[smem:$0x3FB9] =	sst s0;
	s0 =	simm.s32 @!p2 $0x0  }
0x16: {  	s3 =	sld [smem:$0x3FDB];
	s0 =	simm.s32 @p2 $0x1  }
0x17: {  	s4 =	simm.s32 $0x1BF5;
	[smem:$0x3FBB] =	sst s0  }
0x18: {  	s0 =	sld [smem:$0x3F9E];
	_ =	swait.ge [sflag:s4], $0x0  }
0x19: {  	s7 =	sld [smem:$0x3F9F]  }
0x1a: {  	s8 =	sadd.s32 $0xFFFFE003, lr  }
0x1b: {  	s9 =	sadd.s32 $0xFFFFFEF7, lr;
	s5 =	simm.s32 $0xFFFFFFFF;
	p2 =	slt.u32 s8, $0xFFFFF086  }
0x1c: {  	p1 =	slt.u32 s9, $0xF7A;
	s5 =	simm.s32 @!p2 $0x0  }
0x1d: {  	s5 =	simm.s32 @p1 $0x1;
	p0 =	seq.s32 s7, s2  }
0x1e: {  	s7 =	smul.u32 @!p0 $0xF7A, s2;
	p2 =	seq.s32 @!p0 s5, $0x0  }
0x1f: {  	s9 =	smul.u32 $0xF7A, s1;
	s8 =	simm.s32 @!p0 $0x1BF5;
	p2 =	por !p2, p0  }
0x20: {  	[sflag:s8] =	ssyncset.s32 @!p0 $0xFFFFF086;
	s6 =	sadd.s32 @!p0 s3, s7;
	s7 =	simm.s32 @!p0 $0x108  }
0x21: {  	s3 =	sadd.s32 s3, s9;
	s6 =	sadd.s32 @!p0 $0x88, s6;
	s7 =	simm.s32 @p2 $0x1082  }
0x22: {  	[simem:s7], [sflag:s8] =	dma.local @!p0 [hbm:s6], $0xF7A  }
0x23: {  	s9 =	sor.u32 $0xD0000000, s2;
	s6 =	simm.s32 $0x108;
	_ =	swait.ge @!p0 [sflag:s8], $0x0  }
0x24: {  	s3 =	sadd.s32 $0x88, s3;
	s6 =	simm.s32 @!p1 $0x1082;
	[sflag:s4] =	ssyncset.s32 $0xFFFFF086  }
0x25: {  	[simem:s6], [sflag:s4] =	dma.local [hbm:s3], $0xF7A  }
0x26: {  	[smem:$0x3F9F] =	sst s1;
	(tag) =	ssettag s2;
	_ =	strace s9  }
0x27: {  	s1 =	sld [smem:$0x3FAF]  }
0x28: {  	s2 =	sld [smem:$0x3FB0]  }
0x29: {  	s4 =	sld [smem:$0x3FB2]  }
0x2a: {  	p0 =	seq.s32 s5, $0x0;
	s5 =	sld [smem:$0x3FB3]  }
0x2b: {  	s6 =	sld [smem:$0x3FB4]  }
0x2c: {  	s7 =	sld [smem:$0x3FB5]  }
0x2d: {  	s3 =	simm.s32 $0x108;
	s8 =	sld [smem:$0x3FB6]  }
0x2e: {  	s3 =	simm.s32 @!p0 $0x1082;
	s9 =	sld [smem:$0x3FB7]  }
0x2f: {  	lr =	sadd.s32 s0, s3;
	s0 =	sld [smem:$0x3FAE]  }
0x30: {  	s3 =	sld [smem:$0x3FB1]  }
0x31: {  	[smem:$0x3FBA] =	sst s10  }
0x32: {  	s10 =	sld [smem:$0x3FB8];
	_ =	sdelay $0x3  }
0x33: {  	p0 =	seq.s32 s10, $0x1;
	s10 =	sld [smem:$0x3FBA];
	_ =	sdelay $0x3  }
0x34: {  	[smem:$0x3FBA] =	sst s10  }
0x35: {  	s10 =	sld [smem:$0x3FB9];
	_ =	sdelay $0x3  }
0x36: {  	p1 =	seq.s32 s10, $0x1;
	s10 =	sld [smem:$0x3FBA];
	_ =	sdelay $0x3  }
0x37: {  	[smem:$0x3FBA] =	sst s10  }
0x38: {  	s10 =	sld [smem:$0x3FBB]  }
0x39: {  	_ = 	snop;
	(pc) =	sbr.ind lr, $3  }
0x3a: {  	_ = 	snop  }
0x3b: {  	_ = 	snop  }
0x3c: {  	p2 =	seq.s32 s10, $0x1;
	s10 =	sld [smem:$0x3FBA]  }
0x3d: {  	_ =	shalt  }
0x3e: {  	_ =	shalt  }
0x3f: {  	_ =	shalt  }
0x40: {  	_ =	shalt  }
0x41: {  	_ =	shalt  }
0x42: {  	_ =	shalt  }
0x43: {  	_ =	shalt  }
0x44: {  	_ =	shalt  }
0x45: {  	_ =	shalt  }
0x46: {  	_ =	shalt  }
0x47: {  	_ =	shalt  }
0x48: {  	_ =	shalt  }
0x49: {  	_ =	shalt  }
0x4a: {  	_ =	shalt  }
0x4b: {  	_ =	shalt  }
0x4c: {  	_ =	shalt  }
0x4d: {  	_ =	shalt  }
0x4e: {  	_ =	shalt  }
0x4f: {  	_ =	shalt  }
0x50: {  	_ =	shalt  }
0x51: {  	_ =	shalt  }
0x52: {  	_ =	shalt  }
0x53: {  	_ =	shalt  }
0x54: {  	_ =	shalt  }
0x55: {  	_ =	shalt  }
0x56: {  	_ =	shalt  }
0x57: {  	_ =	shalt  }
0x58: {  	_ =	shalt  }
0x59: {  	_ =	shalt  }
0x5a: {  	_ =	shalt  }
0x5b: {  	_ =	shalt  }
0x5c: {  	_ =	shalt  }
0x5d: {  	_ =	shalt  }
0x5e: {  	_ =	shalt  }
0x5f: {  	_ =	shalt  }
0x60: {  	_ =	shalt  }
0x61: {  	_ =	shalt  }
0x62: {  	_ =	shalt  }
0x63: {  	_ =	shalt  }
0x64: {  	_ =	shalt  }
0x65: {  	_ =	shalt  }
0x66: {  	_ =	shalt  }
0x67: {  	_ =	shalt  }
0x68: {  	_ =	shalt  }
0x69: {  	_ =	shalt  }
0x6a: {  	_ =	shalt  }
0x6b: {  	_ =	shalt  }
0x6c: {  	_ =	shalt  }
0x6d: {  	_ =	shalt  }
0x6e: {  	_ =	shalt  }
0x6f: {  	_ =	shalt  }
0x70: {  	_ =	shalt  }
0x71: {  	_ =	shalt  }
0x72: {  	_ =	shalt  }
0x73: {  	_ =	shalt  }
0x74: {  	_ =	shalt  }
0x75: {  	_ =	shalt  }
0x76: {  	_ =	shalt  }
0x77: {  	_ =	shalt  }
0x78: {  	_ =	shalt  }
0x79: {  	_ =	shalt  }
0x7a: {  	_ =	shalt  }
0x7b: {  	_ =	shalt  }
0x7c: {  	_ =	shalt  }
0x7d: {  	_ =	shalt  }
0x7e: {  	_ =	shalt  }
0x7f: {  	_ =	shalt  }
0x80: {  	_ =	shalt  }
0x81: {  	_ =	shalt  }
0x82: {  	_ =	shalt  }
0x83: {  	_ =	shalt  }
0x84: {  	_ =	shalt  }
0x85: {  	_ =	shalt  }
0x86: {  	_ =	shalt  }
0x87: {  	_ =	shalt  }
.Lfunc_end0:
.L_simem_size_0:
called_computation_lowered:
.L_overlay_start_0:
0x88: {  	s2 =	sld [smem:$0x3FD9]  }
0x89: {  	s3 =	sld [smem:$0x3FFE];
	_ =	sdelay $0x1  }
0x8a: {  	s1 =	srdreg.scid  }
0x8b: {  	s0 =	sand.u32 $0x1, s1  }
0x8c: {  	s14 =	sshll.u32 s0, $0xA;
	s2 =	sadd.s32 s3, s2  }
0x8d: {  	s2 =	sadd.s32 s2, s14  }
0x8e: {  	[smem:$0x3FC6] =	sst s2  }
0x8f: {  	_ = 	snop  }
0x90: {  	s2 =	sld [smem:$0x3FD0];
	_ =	sdelay $0x2  }
0x91: {  	s15 =	simm.s32 $0xA;
	s4 =	simm.s32 $0x10  }
0x92: {  	[smem:s4], [sflag:s15] =	dma.local [hbm:s2], $0x1  }
0x93: {  	_ =	swait.eq [sflag:s15], $0x1  }
0x94: {  	[sflag:s15] =	ssyncset.done $0x0  }
0x95: {  	s16 =	sld [smem:$0x10];
	[sflag:s15] =	ssyncadd.s32 $0xFFFFFFFF  }
0x96: {  	s17 =	sld [smem:$0x12];
	(tm) =	ssettm $0x1  }
0x97: {  	s18 =	sld [smem:$0x3FFB];
	_ =	sdelay $0x3  }
0x98: {  	_ =	strace s18  }
0x99: {  	s4 =	sld [smem:$0x3FFC];
	_ =	sdelay $0x3  }
0x9a: {  	_ =	strace s4  }
0x9b: {  	s4 =	sld [smem:$0x3FFD];
	_ =	sdelay $0x3  }
0x9c: {  	_ =	strace s4  }
0x9d: {  	_ =	strace $0x8FFFFFFF  }
0x9e: {  	s19 =	sld [smem:$0x3FDB];
	_ =	sdelay $0x1  }
0x9f: {  	s5 =	simm.s32 $_scs_section_size  }
0xa0: {  	s6 =	simm.s32 $_size__tile_overlayer_lowered;
	s7 =	simm.s32 $_tile_overlayer_lowered  }
0xa1: {  	s22 =	simm.s32 $0x1BFF;
	s21 =	sshll.u32 s7, $0x1;
	s4 =	sadd.s32 s5, s19  }
0xa2: {  	s8 =	simm.s32 $0x0;
	s20 =	sshll.u32 s6, $0x1;
	s6 =	sadd.s32 s21, s4  }
0xa3: {  	[timem:s8], [sflag:s22] =	dma.local [hbm:s6], s20  }
0xa4: {  	_ =	swait.ge [sflag:s22], s20  }
0xa5: {  	s5 =	ssub.s32 $0x0, s20;
	[sflag:s22] =	ssyncset.done $0x0  }
0xa6: {  	[sflag:s22] =	ssyncadd.s32 s5;
	_ =	sdelay $0x1  }
0xa7: {  	s23 =	simm.s32 $0x1B8B  }
0xa8: {  	_ =	swait.ge [sflag:s23], $0x1  }
0xa9: {  	[sflag:s23] =	ssyncset.done $0x0  }
0xaa: {  	s25 =	simm.s32 $0x1B8E;
	s24 =	sld [smem:$0x3FFE];
	[sflag:s23] =	ssyncadd.s32 $0xFFFFFFFF  }
0xab: {  	s26 =	simm.s32 $execute0_lowered;
	[smem:$0x3FD2] =	sst s25  }
0xac: {  	s6 =	sshll.u32 s26, $0x1;
	_ =	strace $0x80000046;
	[dreg:$0x1] =	wrdreg $0xFFFFFFFF  }
0xad: {  	s28 =	simm.s32 $_size_execute0_lowered;
	s4 =	sadd.s32 s4, s6;
	[dreg:$0x0] =	wrdreg $0x0  }
0xae: {  	s6 =	sshll.u32 s28, $0x1;
	[dreg:$0x2] =	wrdreg s4  }
0xaf: {  	[dreg:$0x3] =	wrdreg s6  }
0xb0: {  	[dreg:$0x4] =	wrdreg $0xC0  }
0xb1: {  	_ =	task [dreg:s8], $0x5FFFF  }
0xb2: {  	[dreg:$0x1] =	wrdreg $0xFFFFFFFF  }
0xb3: {  	[dreg:$0x0] =	wrdreg $0x60  }
0xb4: {  	[dreg:$0x2] =	wrdreg s16  }
0xb5: {  	[dreg:$0x3] =	wrdreg s17  }
0xb6: {  	[dreg:$0x4] =	wrdreg s24  }
0xb7: {  	[dreg:$0x5] =	wrdreg $0x9  }
0xb8: {  	_ =	task.clear_ibuf [dreg:s8], $0x6FFFF;
	_ =	strace $0x90000046  }
0xb9: {  	s29 =	simm.s32 $0x9;
	_ =	strace $0x80000048  }
0xba: {  	_ =	swait.ge [sflag:s29], $0x1  }
0xbb: {  	[sflag:s29] =	ssyncadd.s32 $0xFFFFFFFF  }
0xbc: {  	_ =	strace $0x90000048  }
0xbd: {  	_ =	sfence  }
0xbe: {  	s30 =	sld [smem:$0x0];
	_ =	sdelay $0x2  }
0xbf: {  	s31 =	sshll.u32 s1, $0xD;
	s1 =	sshrl.u32 s1, $0x2  }
0xc0: {  	s3 =	sand.u32 $0x4000, s31;
	s1 =	sadd.s32 s1, s30  }
0xc1: {  	s0 =	sor.u32 s3, s0;
	s1 =	sshll.u32 s1, $0x11  }
0xc2: {  	s0 =	sor.u32 s1, s0  }
0xc3: {  	s0 =	sadd.s32 $0x8F2B, s0  }
0xc4: {  	[sflag:s0] =	ssyncadd.remote.s32 $0x1  }
0xc5: {  	_ =	sfence.sel $0xFFFF  }
0xc6: {  	[dreg:$0x0] =	wrdreg $0xFFFFFFFF;
	(pc) =	sbr.abs _section_cstart, $3  }
0xc7: {  	[dreg:$0x1] =	wrdreg $0xFFFFFFFF  }
0xc8: {  	_ =	task.clear_ibuf [dreg:s8], $0x2FFFF;
	_ =	strace $0x9FFFFFFF  }
0xc9: {  	(tm) =	ssettm $0x7FFFFFFF  }
tec
execute0_lowered:
.L_overlay_start_1:
0x0: {  	(tag) =	ssettag $0x1  }
0x1: {  	v0 =	vlaneseq.u32;
	v2 =	vimm.f32 $0.0e+00  }
0x2: {  	v5 =	vimm.s32 $0xEFCDAB89;
	v6 =	vimm.s32 $0x67452301;
	v9 =	vimm.s32 $0xDCFE98BA  }
0x3: {  	vm0 =	vmmov $0x1;
	v12 =	vimm.s32 $0xBA98FEDC;
	v13 =	vimm.s32 $0x32107654  }
0x4: {  	v14 =	vimm.s32 $0xFEDCBA98;
	vm1 =	vcmask $0xB08;
	vm2 =	vcmask $0x1310  }
0x5: {  	vm3 =	vcmask $0x1B18;
	vm4 =	vcmask $0x300;
	vm5 =	vcmask $0x2320  }
0x6: {  	s1 =	rddreg [dreg:$0x0];
	vm6 =	vcmask $0x2B28;
	vm7 =	vcmask $0x3330;
	vm8 =	vcmask $0x3B38  }
0x7: {  	s3 =	rddreg [dreg:$0x2];
	vm9 =	vmmov $0xff;
	v7 =	vunpack.c.l.s4.s8 v5;
	v8 =	vunpack.c.l.s4.s8 v6  }
0x8: {  	s2 =	simm.s32 $0x0;
	s0 =	stileid.u32;
	s4 =	srdreg.scid;
	v18 =	vimm.f32 $1.000000000e+00;
	vm11 =	vcmask $0x3F10;
	vm12 =	vcmask $0x3F0C  }
0x9: {  	s13 =	simm.s32 $0x1;
	v9 =	vunpack.c.l.s4.s8 v9;
	[smem:$0x7FF] =	sst s2;
	s5 =	sshll.u32 s0, $0xE;
	v10 =	vunpack.c.0.s8.s32 v7;
	v11 =	vunpack.c.0.s8.s32 v8  }
0xa: {  	vm13 =	vcmask $0x3F08;
	v1 =	vmul.u32 $0xFFFFFFFF, v0;
	v12 =	vunpack.c.l.s4.s8 v12;
	s4 =	sand.u32 $0x1, s4;
	s6 =	sshll.u32 s0, $0x1;
	s9 =	sadd.s32 $0x40E00, s3  }
0xb: {  	_ =	strace $0x80000047;
	s5 =	sand.u32 $0x30000, s5;
	s6 =	sor.u32 s4, s6;
	v10 =	vcombine.low v11, v10;
	v11 =	vunpack.c.0.s8.s32 v9;
	v9 =	vimm.s32 $0x54761032  }
0xc: {  	v13 =	vunpack.c.l.s4.s8 v13;
	v14 =	vunpack.c.l.s4.s8 v14;
	s7 =	ssub.s32 $0x2, s4;
	s8 =	sadd.s32 s5, s3;
	s23 =	sshll.u32 s6, $0x5;
	v9 =	vunpack.c.l.s4.s8 v9  }
0xd: {  	v17 =	vor.u32 $0x10, v0;
	v3 =	vadd.s32 $0xFFFFFFF0, v1;
	v4 =	vadd.s32 $0xFFFFFFE0, v1;
	s21 =	smul.u32 $0xE20, s6;
	s3 =	sadd.s32 $0x41200, s3;
	s25 =	sadd.s32 s9, s23  }
0xe: {  	v5 =	vadd.s32 $0xFFFFFFD0, v1;
	s20 =	sshrl.u32 s7, $0x1;
	s26 =	sadd.s32 s3, s23;
	[dreg:$0x5] =	wrdreg s25;
	v15 =	vunpack.c.0.s8.s32 v9;
	v9 =	vimm.s32 $0x76543210  }
0xf: {  	v12 =	vunpack.c.0.s8.s32 v12;
	v13 =	vunpack.c.0.s8.s32 v13;
	s11 =	ssub.s32 s7, s20;
	s22 =	sadd.s32 s1, s21;
	[dreg:$0x6] =	wrdreg s26;
	v16 =	vunpack.c.l.s4.s8 v9  }
0x10: {  	v6 =	vadd.s32 $0xFFFFFFC0, v1;
	v7 =	vadd.s32 $0xFFFFFFB0, v1;
	v14 =	vunpack.c.0.s8.s32 v14;
	s24 =	sshll.u32 s6, $0x4;
	s31 =	smax.u32 s11, $0x1;
	[dreg:$0x4] =	wrdreg s22  }
0x11: {  	v8 =	vadd.s32 $0xFFFFFFA0, v1;
	v12 =	vcombine.low v13, v12;
	s1 =	sor.u32 $0x10, s23;
	s0 =	sadd.s32 $0x10, s22;
	[dreg:$0xb] =	wrdreg s31;
	v13 =	vunpack.c.0.s8.s32 v16  }
0x12: {  	s10 =	sand.u32 $0x70, s24;
	v14 =	vand.u32 $0xF, v14;
	s28 =	sadd.s32 s9, s1;
	[dreg:$0x7] =	wrdreg s0;
	v11 =	vcombine.low v15, v11;
	v15 =	vimm.s32 $0xECA86420  }
0x13: {  	s10 =	sadd.s32 s10, s8;
	s29 =	sadd.s32 s3, s1;
	v10 =	vand.u32 $0xF, v10;
	[dreg:$0x8] =	wrdreg s28;
	v13 =	vcombine.low v14, v13;
	v14 =	vunpack.c.l.s4.s8 v15  }
0x14: {  	s18 =	simm.s32 $0x3880;
	s30 =	sadd.s32 $0xE00, s10;
	v12 =	vand.u32 $0xF, v12;
	[dreg:$0x9] =	wrdreg s29;
	v9 =	vadd.s32 $0xFFFFFF90, v1;
	v16 =	vimm.s32 $0x0  }
0x15: {  	s22 =	simm.s32 $0x80;
	s1 =	simm.s32 $0x0;
	[dreg:$0xa] =	wrdreg s30;
	v11 =	vand.u32 $0xF, v11;
	v15 =	vmul.u32 $0x2, v0;
	v14 =	vunpack.c.0.s8.s32 v14  }
.LBB2_1:
0x16: {  	[dreg:$0xc] =	wrdreg s1  }
0x17: {  	s0 =	rddreg [dreg:$0x1];
	s31 =	simm.s32 $0x13880  }
0x18: {  	[tilespmem:s31], [sflag:$0x1] =	stream.linear.gather [hbm4b:s0+s2], $0x80, $0x38;
	[tilespmem:$0x13B00] =	vst v63  }
0x19: {  	_ =	swait.ge [sflag:s13], $0x80  }
0x1a: {  	[sflag:s13] =	ssyncset.done $0x0  }
0x1b: {  	[sflag:s13] =	ssyncadd.s32 $0xFFFFFF80  }
0x1c: {  	s1 =	simm.s32 $0x0;
	s3 =	simm.s32 $0x200;
	v19 =	vld [tilespmem:$0x13880]  }
.LBB2_2:
0x1d: {  	p0 =	sne.s32 s3, $0x3FE00;
	[tilespmem:s1+$0x38F0] =	vst v2  }
0x1e: {  	[tilespmem:s1+$0x3880] =	vst v2  }
0x1f: {  	[tilespmem:s1+$0x3890] =	vst v2  }
.Ltmp0:
0x20: {  	[tilespmem:s1+$0x38A0] =	vst v2;
	(pc) =	sbr.rel @p0 .LBB2_2-.Ltmp0, $4  }
0x21: {  	[tilespmem:s1+$0x38B0] =	vst v2  }
0x22: {  	[tilespmem:s1+$0x38C0] =	vst v2  }
0x23: {  	[tilespmem:s1+$0x38D0] =	vst v2  }
0x24: {  	[tilespmem:s1+$0x38E0] =	vst v2;
	s1 =	sshra.s32 s3, $0x2;
	s3 =	sadd.s32 $0x200, s3  }
0x25: {  	[tilespmem:s1+$0x38F0] =	vst v2  }
0x26: {  	[tilespmem:s1+$0x3880] =	vst v2  }
0x27: {  	[tilespmem:s1+$0x3890] =	vst v2  }
0x28: {  	[tilespmem:s1+$0x38A0] =	vst v2  }
0x29: {  	[tilespmem:s1+$0x38B0] =	vst v2  }
0x2a: {  	[tilespmem:s1+$0x38C0] =	vst v2  }
0x2b: {  	[tilespmem:s1+$0x38D0] =	vst v2  }
0x2c: {  	[tilespmem:s1+$0x38E0] =	vst v2;
	s31 =	simm.s32 $0x0;
	s0 =	rddreg [dreg:$0x4];
	s2 =	simm.s32 $0x100  }
0x2d: {  	[tilespmem:s31], [sflag:$0x1] =	stream.strided.gather [hbm4b:s0+s22], $0x3880, s2, s22, $0x38;
	[tilespmem:$0x13B00] =	vst v63  }
0x2e: {  	_ =	swait.ge [sflag:s13], $0x3880  }
0x2f: {  	[sflag:s13] =	ssyncset.done $0x0  }
0x30: {  	s3 =	simm.s32 $0x40;
	[sflag:s13] =	ssyncadd.s32 $0xFFFFC780  }
0x31: {  	v20 =	vld [tilespmem:s3+$0xFFFFFFC0];
	_ =	sdelay $0x1  }
0x32: {  	v21 =	vld [tilespmem:s3+$0xFFFFFFD0];
	_ =	sdelay $0x1  }
0x33: {  	v22 =	vimm.f32 $-Inf;
	v23 =	vld [tilespmem:s3+$0xFFFFFFE0]  }
0x34: {  	vm14 =	vgt.f32 v20, v22  }
0x35: {  	v24 =	vadd.s32 s31, v1;
	v20 =	vsel vm14, v20, v22;
	v22 =	vld [tilespmem:s3+$0xFFFFFFF0]  }
0x36: {  	v25 =	vadd.s32 s31, v3;
	v24 =	vcvt.s32.f32 v24;
	vm15 =	vgt.f32 v21, v20  }
0x37: {  	v26 =	vimm.f32 $-1.000000000e+06;
	v25 =	vcvt.s32.f32 v25;
	v20 =	vsel vm15, v21, v20;
	v21 =	vld [tilespmem:s3+$0x0]  }
0x38: {  	v24 =	vsel vm14, v24, v26;
	vm14 =	vgt.f32 v23, v20  }
0x39: {  	v26 =	vadd.s32 s31, v4;
	v24 =	vsel vm15, v25, v24;
	v20 =	vsel vm14, v23, v20  }
0x3a: {  	v27 =	vld [tilespmem:s3+$0x10];
	v25 =	vcvt.s32.f32 v26;
	v26 =	vadd.s32 s31, v5;
	vm15 =	vgt.f32 v22, v20  }
0x3b: {  	v23 =	vcvt.s32.f32 v26;
	v26 =	vadd.s32 s31, v6;
	v22 =	vsel vm15, v22, v20  }
0x3c: {  	v24 =	vsel vm14, v25, v24;
	v25 =	vcvt.s32.f32 v26;
	v20 =	vld [tilespmem:s3+$0x20];
	vm14 =	vgt.f32 v21, v22  }
0x3d: {  	v23 =	vsel vm15, v23, v24;
	v24 =	vadd.s32 s31, v7;
	v26 =	vsel vm14, v21, v22;
	v22 =	vld [tilespmem:s3+$0x30]  }
0x3e: {  	v28 =	vadd.s32 s31, v8;
	v24 =	vcvt.s32.f32 v24  }
0x3f: {  	s24 =	simm.s32 $0xC0;
	v25 =	vsel vm14, v25, v23;
	v23 =	vadd.s32 s31, v9;
	vm14 =	vgt.f32 v27, v26  }
0x40: {  	s23 =	simm.s32 $0xFFFFFF8F;
	s1 =	simm.s32 $0xFFFFFF1E;
	v21 =	vld [tilespmem:s24+$0xFFFFFFC0];
	v26 =	vsel vm14, v27, v26;
	v24 =	vsel vm14, v24, v25;
	v25 =	vcvt.s32.f32 v28  }
.LBB2_4:
0x41: {  	p0 =	sne.s32 s1, $0xFFFFCE90;
	vm14 =	vgt.f32 v20, v26;
	v23 =	vcvt.s32.f32 v23  }
0x42: {  	v27 =	vld [tilespmem:s24+$0xFFFFFFD0];
	v20 =	vsel vm14, v20, v26;
	v24 =	vsel vm14, v25, v24;
	v22 =	vnsel vm0, $0xBF800000, v22  }
0x43: {  	v25 =	vadd.s32 s23, v1;
	vm14 =	vgt.f32 v22, v20  }
0x44: {  	v25 =	vcvt.s32.f32 v25;
	v26 =	vld [tilespmem:s24+$0xFFFFFFE0];
	v20 =	vsel vm14, v22, v20;
	v22 =	vsel vm14, v23, v24  }
0x45: {  	v23 =	vadd.s32 s23, v3;
	vm14 =	vgt.f32 v21, v20  }
0x46: {  	v20 =	vsel vm14, v21, v20;
	v21 =	vsel vm14, v25, v22;
	v22 =	vcvt.s32.f32 v23;
	v23 =	vld [tilespmem:s24+$0xFFFFFFF0]  }
0x47: {  	v24 =	vadd.s32 s23, v4;
	vm14 =	vgt.f32 v27, v20  }
0x48: {  	v20 =	vsel vm14, v27, v20;
	v21 =	vsel vm14, v22, v21;
	v22 =	vcvt.s32.f32 v24;
	v24 =	vld [tilespmem:s24+$0x0]  }
0x49: {  	v25 =	vadd.s32 s23, v5;
	vm14 =	vgt.f32 v26, v20  }
0x4a: {  	v20 =	vsel vm14, v26, v20;
	v21 =	vsel vm14, v22, v21;
	v22 =	vcvt.s32.f32 v25;
	v25 =	vld [tilespmem:s24+$0x10]  }
0x4b: {  	v26 =	vadd.s32 s23, v6;
	vm14 =	vgt.f32 v23, v20  }
.Ltmp1:
0x4c: {  	v26 =	vcvt.s32.f32 v26;
	v23 =	vsel vm14, v23, v20;
	v21 =	vsel vm14, v22, v21;
	v20 =	vld [tilespmem:s24+$0x20];
	(pc) =	sbr.rel @p0 .LBB2_4-.Ltmp1, $4  }
0x4d: {  	v27 =	vadd.s32 s23, v7;
	vm14 =	vgt.f32 v24, v23;
	v22 =	vld [tilespmem:s24+$0x30]  }
0x4e: {  	v27 =	vcvt.s32.f32 v27;
	v24 =	vsel vm14, v24, v23;
	v28 =	vsel vm14, v26, v21  }
0x4f: {  	v29 =	vadd.s32 s23, v8;
	s24 =	sadd.s32 $0x80, s24;
	v23 =	vadd.s32 s23, v9;
	s23 =	smov.u32 s1;
	vm14 =	vgt.f32 v25, v24  }
0x50: {  	s1 =	sadd.s32 $0xFFFFFF8F, s1;
	v21 =	vld [tilespmem:s24+$0xFFFFFFC0];
	v26 =	vsel vm14, v25, v24;
	v24 =	vsel vm14, v27, v28;
	v25 =	vcvt.s32.f32 v29  }
0x51: {  	vm14 =	vgt.f32 v20, v26  }
0x52: {  	v27 =	vld [tilespmem:s24+$0xFFFFFFD0];
	v20 =	vsel vm14, v20, v26;
	v22 =	vnsel vm0, $0xBF800000, v22  }
0x53: {  	vm15 =	vgt.f32 v22, v20  }
0x54: {  	v26 =	vld [tilespmem:s24+$0xFFFFFFE0];
	v20 =	vsel vm15, v22, v20  }
0x55: {  	vm10 =	vgt.f32 v21, v20  }
0x56: {  	v22 =	vcvt.s32.f32 v23;
	v20 =	vsel vm10, v21, v20;
	v21 =	vld [tilespmem:s24+$0xFFFFFFF0]  }
0x57: {  	v23 =	vsel vm14, v25, v24;
	v24 =	vadd.s32 s23, v1;
	vm14 =	vgt.f32 v27, v20  }
0x58: {  	v25 =	vadd.s32 s23, v3;
	v24 =	vcvt.s32.f32 v24;
	v20 =	vsel vm14, v27, v20;
	v27 =	vld [tilespmem:s24+$0x0]  }
0x59: {  	v22 =	vsel vm15, v22, v23;
	v23 =	vcvt.s32.f32 v25;
	vm15 =	vgt.f32 v26, v20  }
0x5a: {  	v22 =	vsel vm10, v24, v22;
	v24 =	vld [tilespmem:s24+$0x10];
	v20 =	vsel vm15, v26, v20  }
0x5b: {  	v25 =	vadd.s32 s23, v4;
	v22 =	vsel vm14, v23, v22;
	vm10 =	vgt.f32 v21, v20  }
0x5c: {  	v23 =	vcvt.s32.f32 v25;
	v25 =	vadd.s32 s23, v5;
	v20 =	vsel vm10, v21, v20;
	v21 =	vld [tilespmem:s24+$0x20]  }
0x5d: {  	v28 =	vld [tilespmem:s24+$0x30];
	v25 =	vcvt.s32.f32 v25;
	v26 =	vadd.s32 s23, v6;
	vm14 =	vgt.f32 v27, v20  }
0x5e: {  	v22 =	vsel vm15, v23, v22;
	v23 =	vcvt.s32.f32 v26;
	v20 =	vsel vm14, v27, v20  }
0x5f: {  	v22 =	vsel vm10, v25, v22;
	v25 =	vadd.s32 s23, v7;
	vm10 =	vgt.f32 v24, v20  }
0x60: {  	v22 =	vsel vm14, v23, v22;
	v23 =	vcvt.s32.f32 v25;
	v20 =	vsel vm10, v24, v20  }
0x61: {  	v25 =	vadd.s32 s23, v9;
	v24 =	vadd.s32 s23, v8;
	vm14 =	vgt.f32 v21, v20  }
0x62: {  	v24 =	vcvt.s32.f32 v24;
	v20 =	vsel vm14, v21, v20;
	v21 =	vnsel vm0, $0xBF800000, v28  }
0x63: {  	v22 =	vsel vm10, v23, v22;
	v23 =	vcvt.s32.f32 v25;
	vm10 =	vgt.f32 v21, v20  }
0x64: {  	v22 =	vsel vm14, v24, v22;
	v20 =	vsel vm10, v21, v20  }
0x65: {  	v21 =	vsel vm10, v23, v22;
	[tilespmem:$0x13900] =	vst v20  }
0x66: {  	s0 =	simm.s32 $0x13900;
	[tilespmem:$0x13980] =	vst v21  }
0x67: {  	s1 =	simm.s32 $0x13980;
	v22 =	vld.idx.msk [tilespmem:v10+s0+$0x0], $0xffff  }
0x68: {  	v23 =	vld.idx.msk [tilespmem:v10+s1+$0x0], $0xffff;
	_ =	sdelay $0x4  }
0x69: {  	vm10 =	veq.f32 v22, v20;
	vm14 =	vgt.f32 v23, v21  }
0x6a: {  	vm15 =	vgt.f32 v22, v20;
	vm10 =	vmand vm10, vm14  }
0x6b: {  	vm10 =	vmor vm15, vm10  }
0x6c: {  	v20 =	vsel vm10, v22, v20  }
0x6d: {  	v21 =	vsel vm10, v23, v21;
	[tilespmem:$0x13900] =	vst v20  }
0x6e: {  	[tilespmem:$0x13980] =	vst v21  }
0x6f: {  	v22 =	vld.idx.msk [tilespmem:v11+s0+$0x0], $0xffff  }
0x70: {  	v23 =	vld.idx.msk [tilespmem:v11+s1+$0x0], $0xffff;
	_ =	sdelay $0x4  }
0x71: {  	vm10 =	veq.f32 v22, v20;
	vm14 =	vgt.f32 v23, v21  }
0x72: {  	vm15 =	vgt.f32 v22, v20;
	vm10 =	vmand vm10, vm14  }
0x73: {  	vm10 =	vmor vm15, vm10  }
0x74: {  	v20 =	vsel vm10, v22, v20  }
0x75: {  	v21 =	vsel vm10, v23, v21;
	[tilespmem:$0x13900] =	vst v20  }
0x76: {  	[tilespmem:$0x13980] =	vst v21  }
0x77: {  	v22 =	vld.idx.msk [tilespmem:v12+s0+$0x0], $0xffff  }
0x78: {  	v23 =	vld.idx.msk [tilespmem:v12+s1+$0x0], $0xffff;
	_ =	sdelay $0x4  }
0x79: {  	vm10 =	veq.f32 v22, v20;
	vm14 =	vgt.f32 v23, v21  }
0x7a: {  	vm15 =	vgt.f32 v22, v20;
	vm10 =	vmand vm10, vm14  }
0x7b: {  	vm10 =	vmor vm15, vm10  }
0x7c: {  	v20 =	vsel vm10, v22, v20  }
0x7d: {  	v22 =	vsel vm10, v23, v21;
	[tilespmem:$0x13900] =	vst v20  }
0x7e: {  	[tilespmem:$0x13980] =	vst v22  }
0x7f: {  	v21 =	vld.idx.msk [tilespmem:v13+s0+$0x0], $0xffff  }
0x80: {  	v23 =	vld.idx.msk [tilespmem:v13+s1+$0x0], $0xffff;
	_ =	sdelay $0x4  }
0x81: {  	vm10 =	veq.f32 v21, v20;
	vm14 =	vgt.f32 v23, v22  }
0x82: {  	vm15 =	vgt.f32 v21, v20;
	vm10 =	vmand vm10, vm14  }
0x83: {  	vm14 =	vmor vm15, vm10  }
0x84: {  	v22 =	vsel vm14, v23, v22  }
0x85: {  	v22 =	vxor.u32 $0x80000000, v22  }
0x86: {  	v19 =	vtrunc.f32 v19;
	v22 =	vtrunc.f32 v22  }
0x87: {  	v19 =	vcvt.f32.s32 v19;
	v22 =	vcvt.f32.s32 v22;
	_ =	sdelay $0x1  }
0x88: {  	v22 =	vadd.s32 v19, v22  }
0x89: {  	(v2sf) =	vpush v22, $0xD;
	_ =	sdelay $0x1  }
0x8a: {  	(v2sf) =	vpush v22, $0xC;
	_ =	sdelay $0x1  }
0x8b: {  	(v2sf) =	vpush v22, $0xE;
	_ =	sdelay $0x1  }
0x8c: {  	(v2sf) =	vpush v22, $0xF;
	_ =	sdelay $0x1  }
0x8d: {  	(v2sf) =	vpush v22, $0x9;
	_ =	sdelay $0x1  }
0x8e: {  	(v2sf) =	vpush v22, $0x8;
	_ =	sdelay $0x1  }
0x8f: {  	(v2sf) =	vpush v22, $0xA;
	_ =	sdelay $0x1  }
0x90: {  	(v2sf) =	vpush v22, $0xB  }
0x91: {  	s0 =	spop (v2sf)  }
0x92: {  	(v2sf) =	vpush v22, $0x0;
	s2 =	smulhi.u32 $0x487EDE05, s0;
	s1 =	sshra.s32 s0, $0x1F  }
0x93: {  	(v2sf) =	vpush v22, $0x1;
	s3 =	spop (v2sf);
	s1 =	smul.u32 $0x487EDE05, s1  }
0x94: {  	(v2sf) =	vpush v22, $0x2;
	s25 =	smulhi.u32 $0x487EDE05, s3;
	s3 =	sshra.s32 s3, $0x1F  }
0x95: {  	s9 =	spop (v2sf);
	s26 =	smul.u32 $0x487EDE05, s3  }
0x96: {  	(v2sf) =	vpush v22, $0x3;
	s28 =	smulhi.u32 $0x487EDE05, s9;
	s24 =	sshra.s32 s9, $0x1F  }
0x97: {  	s10 =	spop (v2sf);
	s30 =	smul.u32 $0x487EDE05, s24  }
0x98: {  	(v2sf) =	vpush v22, $0x4;
	s31 =	smulhi.u32 $0x487EDE05, s10;
	s3 =	sshra.s32 s10, $0x1F  }
0x99: {  	s29 =	spop (v2sf);
	s12 =	smul.u32 $0x487EDE05, s3  }
0x9a: {  	(v2sf) =	vpush v22, $0x5;
	s21 =	smulhi.u32 $0x487EDE05, s29;
	s16 =	sshra.s32 s29, $0x1F  }
0x9b: {  	(v2sf) =	vpush v22, $0x6;
	s11 =	spop (v2sf);
	s6 =	smul.u32 $0x487EDE05, s16  }
0x9c: {  	(v2sf) =	vpush v22, $0x7;
	s15 =	smulhi.u32 $0x487EDE05, s11;
	s24 =	sshra.s32 s11, $0x1F  }
0x9d: {  	s14 =	spop (v2sf);
	s9 =	smul.u32 $0x487EDE05, s24  }
0x9e: {  	s26 =	sadd.s32 s26, s25;
	s11 =	smulhi.u32 $0x487EDE05, s14;
	s0 =	sshra.s32 s14, $0x1F  }
0x9f: {  	s16 =	sshrl.u32 s26, $0x1F;
	s17 =	spop (v2sf);
	s0 =	smul.u32 $0x487EDE05, s0  }
0xa0: {  	s24 =	sadd.s32 s1, s2;
	s4 =	smulhi.u32 $0x487EDE05, s17;
	s29 =	sshra.s32 s17, $0x1F  }
0xa1: {  	s23 =	sadd.s32 s12, s31;
	s5 =	spop (v2sf);
	s2 =	smul.u32 $0x487EDE05, s29  }
0xa2: {  	s7 =	spop (v2sf);
	s14 =	smulhi.u32 $0x487EDE05, s5;
	s25 =	sshra.s32 s5, $0x1F  }
0xa3: {  	s31 =	sadd.s32 s6, s21;
	s8 =	spop (v2sf);
	s17 =	smul.u32 $0x487EDE05, s25  }
0xa4: {  	s25 =	sadd.s32 s30, s28;
	s30 =	smulhi.u32 $0x487EDE05, s7;
	s29 =	sshra.s32 s7, $0x1F  }
0xa5: {  	s1 =	sadd.s32 s9, s15;
	s10 =	spop (v2sf);
	s12 =	smul.u32 $0x487EDE05, s29  }
0xa6: {  	s6 =	smulhi.u32 $0x487EDE05, s8;
	s8 =	sshra.s32 s8, $0x1F;
	s29 =	sadd.s32 s0, s11  }
0xa7: {  	s28 =	sadd.s32 s2, s4;
	s19 =	spop (v2sf);
	s8 =	smul.u32 $0x487EDE05, s8  }
0xa8: {  	s0 =	smulhi.u32 $0x487EDE05, s10;
	s11 =	sshra.s32 s10, $0x1F;
	s9 =	sadd.s32 s17, s14  }
0xa9: {  	s2 =	smul.u32 $0x487EDE05, s11;
	s17 =	sshra.s32 s19, $0x1F;
	s20 =	spop (v2sf)  }
0xaa: {  	s6 =	sadd.s32 s8, s6;
	s8 =	smulhi.u32 $0x487EDE05, s19;
	s3 =	spop (v2sf)  }
0xab: {  	s21 =	sshrl.u32 s23, $0x1F;
	s14 =	smul.u32 $0x487EDE05, s17;
	s15 =	spop (v2sf)  }
0xac: {  	s5 =	sshrl.u32 s24, $0x1F;
	s10 =	smulhi.u32 $0x487EDE05, s15;
	s4 =	sshra.s32 s15, $0x1F  }
0xad: {  	s7 =	sshrl.u32 s25, $0x1F;
	s12 =	sadd.s32 s12, s30;
	s4 =	smul.u32 $0x487EDE05, s4  }
0xae: {  	v24 =	vmov s16;
	s11 =	sshrl.u32 s31, $0x1F;
	s16 =	sshrl.u32 s9, $0x1F;
	s17 =	sshrl.u32 s12, $0x1F  }
0xaf: {  	s0 =	sadd.s32 s2, s0;
	s8 =	sadd.s32 s14, s8;
	s30 =	sadd.s32 s4, s10  }
0xb0: {  	vm10 =	vcmask $0x704;
	v24 =	vsel vm1, s5, v24;
	v25 =	vmov s16;
	s16 =	smulhi.u32 $0x487EDE05, s3;
	s3 =	sshra.s32 s3, $0x1F;
	s19 =	sshra.s32 s30, $0x1F  }
0xb1: {  	v24 =	vsel vm2, s7, v24;
	v25 =	vnsel vm4, $0x0, v25;
	s14 =	sshra.s32 s9, $0x5;
	s9 =	sshra.s32 s9, $0x1F;
	s3 =	smul.u32 $0x487EDE05, s3;
	v23 =	vmov s19  }
0xb2: {  	v24 =	vsel vm3, s21, v24;
	s5 =	smulhi.u32 $0x487EDE05, s20;
	v25 =	vsel vm1, s17, v25;
	s15 =	sshrl.u32 s1, $0x1F;
	s1 =	sshra.s32 s1, $0x5;
	v23 =	vsel vm4, s14, v23  }
0xb3: {  	v26 =	vmov s15;
	v27 =	vmov s1;
	s2 =	sadd.s32 s3, s16;
	s19 =	sshra.s32 s20, $0x1F;
	s20 =	sshra.s32 s12, $0x5;
	v23 =	vsel vm10, s9, v23  }
0xb4: {  	v26 =	vsel vm1, s11, v26;
	s16 =	sshra.s32 s31, $0x5;
	s4 =	sshrl.u32 s29, $0x1F;
	s12 =	sshra.s32 s12, $0x1F;
	vm10 =	vcmask $0xF0C;
	v23 =	vsel vm1, s20, v23  }
0xb5: {  	s17 =	sshra.s32 s6, $0x5;
	s10 =	sshrl.u32 s28, $0x1F;
	v27 =	vsel vm1, s16, v27;
	v26 =	vsel vm2, s4, v26;
	v23 =	vsel vm10, s12, v23  }
0xb6: {  	v26 =	vsel vm3, s10, v26;
	s14 =	smul.u32 $0x487EDE05, s19;
	s9 =	sshrl.u32 s6, $0x1F;
	s6 =	sshra.s32 s6, $0x1F;
	vm10 =	vcmask $0x1714;
	v23 =	vsel vm2, s17, v23  }
0xb7: {  	s21 =	sshra.s32 s0, $0x5;
	s19 =	sshrl.u32 s0, $0x1F;
	s0 =	sshra.s32 s0, $0x1F;
	v24 =	vcombine.low v26, v24;
	v25 =	vsel vm2, s9, v25;
	v23 =	vsel vm10, s6, v23  }
0xb8: {  	s5 =	sadd.s32 s14, s5;
	s20 =	sshrl.u32 s8, $0x1F;
	v25 =	vsel vm3, s19, v25;
	s12 =	sshra.s32 s26, $0x5;
	vm10 =	vcmask $0x1F1C;
	v23 =	vsel vm3, s21, v23  }
0xb9: {  	s11 =	sshra.s32 s8, $0x5;
	s9 =	sshrl.u32 s5, $0x1F;
	v25 =	vsel vm5, s20, v25;
	v26 =	vmov s12;
	v23 =	vsel vm10, s0, v23  }
0xba: {  	s15 =	sshra.s32 s24, $0x5;
	s14 =	sshra.s32 s8, $0x1F;
	s20 =	sshra.s32 s29, $0x5;
	v25 =	vsel vm6, s9, v25;
	vm10 =	vcmask $0x2724;
	v23 =	vsel vm5, s11, v23  }
0xbb: {  	s3 =	sshrl.u32 s2, $0x1F;
	s17 =	sshra.s32 s5, $0x5;
	v26 =	vsel vm1, s15, v26;
	v27 =	vsel vm2, s20, v27;
	v23 =	vsel vm10, s14, v23  }
0xbc: {  	s19 =	sshra.s32 s25, $0x5;
	s25 =	sshra.s32 s28, $0x5;
	v25 =	vsel vm7, s3, v25;
	s21 =	sshra.s32 s5, $0x1F;
	vm10 =	vcmask $0x2F2C;
	v23 =	vsel vm6, s17, v23  }
0xbd: {  	s24 =	sshra.s32 s23, $0x5;
	s26 =	sshra.s32 s2, $0x5;
	v26 =	vsel vm2, s19, v26;
	v27 =	vsel vm3, s25, v27;
	v23 =	vsel vm10, s21, v23  }
0xbe: {  	s28 =	sshrl.u32 s30, $0x1F;
	s29 =	sshra.s32 s2, $0x1F;
	v26 =	vsel vm3, s24, v26;
	vm10 =	vcmask $0x3734;
	v23 =	vsel vm7, s26, v23  }
0xbf: {  	s30 =	sshra.s32 s30, $0x5;
	v25 =	vsel vm8, s28, v25;
	v26 =	vcombine.low v27, v26;
	v23 =	vsel vm10, s29, v23  }
0xc0: {  	v24 =	vperm.xlane v24, v14;
	v25 =	vperm.xlane v25, v15;
	v23 =	vsel vm8, s30, v23  }
0xc1: {  	v26 =	vperm.xlane v26, v14;
	v23 =	vperm.xlane v23, v15;
	_ =	sdelay $0x1  }
0xc2: {  	v24 =	vsel vm9, v25, v24;
	v23 =	vsel vm9, v23, v26  }
0xc3: {  	v23 =	vadd.s32 v24, v23  }
0xc4: {  	v24 =	vmul.u32 $0xFFFFFF8F, v23;
	_ =	sdelay $0x1  }
0xc5: {  	v24 =	vadd.s32 v22, v24  }
0xc6: {  	vm15 =	vlt.s32 v22, $0x1;
	vm10 =	vne.s32 v24, $0x0  }
0xc7: {  	vm10 =	vmand vm15, vm10  }
0xc8: {  	v22 =	vsel vm10, $0xFFFFFFFF, v16  }
0xc9: {  	v25 =	vshll.u32 v24, $0x1;
	v22 =	vadd.s32 v22, v23  }
0xca: {  	s31 =	simm.s32 $0x0;
	vm10 =	vlt.s32 v24, $0x0;
	v24 =	vadd.s32 $0xE2, v25;
	v23 =	vshll.u32 v22, $0x1  }
0xcb: {  	v22 =	vsel vm10, v24, v25;
	v24 =	vadd.s32 s31, v23  }
0xcc: {  	v26 =	vadd.s32 v0, v22;
	v27 =	vadd.s32 v17, v22;
	v24 =	vshll.u32 v24, $0x8  }
0xcd: {  	s1 =	simm.s32 $0x1;
	v25 =	vadd.s32 v26, v24;
	v24 =	vadd.s32 v27, v24  }
.LBB2_6:
0xce: {  	p0 =	sne.s32 s1, $0x1F  }
.Ltmp2:
0xcf: {  	_ = 	snop;
	(pc) =	sbr.rel @p0 .LBB2_6-.Ltmp2, $4  }
0xd0: {  	_ = 	snop  }
0xd1: {  	v28 =	vadd.s32 s1, v23  }
0xd2: {  	[tilespmem:v25+s18+$0x0] =	vst.idx.msk $0xffff, v18;
	v28 =	vshll.u32 v28, $0x8  }
0xd3: {  	s1 =	sadd.s32 $0x1, s1;
	[tilespmem:v24+s18+$0x0] =	vst.idx.msk $0xffff, v18;
	v25 =	vadd.s32 v26, v28;
	v24 =	vadd.s32 v27, v28  }
0xd4: {  	vm10 =	vlt.s32 v23, $0xE0  }
0xd5: {  	v26 =	vnsel vm10, $0xE0, v23  }
0xd6: {  	vm10 =	vlt.s32 v22, $0xE0;
	v26 =	vadd.s32 $0x1F, v26  }
0xd7: {  	v27 =	vnsel vm10, $0xE0, v22;
	v26 =	vsel vm11, $0x0, v26  }
0xd8: {  	v27 =	vadd.s32 $0x1F, v27;
	v23 =	vsel vm12, v26, v23  }
0xd9: {  	[tilespmem:v25+s18+$0x0] =	vst.idx.msk $0xffff, v18;
	v23 =	vsel vm13, v23, v27  }
0xda: {  	[tilespmem:v24+s18+$0x0] =	vst.idx.msk $0xffff, v18;
	v22 =	vsel vm0, v22, v23  }
0xdb: {  	s0 =	simm.s32 $0x0;
	s1 =	rddreg [dreg:$0x5];
	s2 =	simm.s32 $0x13A00;
	[tilespmem:$0x13A00] =	vst v22  }
0xdc: {  	[hbm4b:s1+s0] =	stream.linear.scatter [tilespmem:s2], [sflag:$0x1], $0x80, $0x38;
	[tilespmem:$0x13B00] =	vst v63  }
0xdd: {  	_ =	swait.ge [sflag:s13], $0x80  }
0xde: {  	v20 =	vsel vm14, v21, v20;
	[sflag:s13] =	ssyncset.done $0x0  }
0xdf: {  	v20 =	vnsel vm0, $0x0, v20;
	[sflag:s13] =	ssyncadd.s32 $0xFFFFFF80  }
0xe0: {  	s28 =	simm.s32 $0x13A80;
	s26 =	rddreg [dreg:$0x6];
	[tilespmem:$0x13A80] =	vst v20  }
0xe1: {  	[hbm4b:s26+s0] =	stream.linear.scatter [tilespmem:s28], [sflag:$0x1], $0x80, $0x38;
	[tilespmem:$0x13B00] =	vst v63  }
0xe2: {  	_ =	swait.ge [sflag:s13], $0x80  }
0xe3: {  	[sflag:s13] =	ssyncset.done $0x0  }
0xe4: {  	s30 =	simm.s32 $0x100;
	s29 =	rddreg [dreg:$0x7];
	[sflag:s13] =	ssyncadd.s32 $0xFFFFFF80  }
0xe5: {  	[tilespmem:s0], [sflag:$0x1] =	stream.strided.gather [hbm4b:s29+s22], $0x3880, s30, s22, $0x38;
	[tilespmem:$0x13B00] =	vst v63  }
0xe6: {  	_ =	swait.ge [sflag:s13], $0x3880  }
0xe7: {  	[sflag:s13] =	ssyncset.done $0x0  }
0xe8: {  	s31 =	simm.s32 $0x40;
	[sflag:s13] =	ssyncadd.s32 $0xFFFFC780  }
0xe9: {  	v20 =	vld [tilespmem:s31+$0xFFFFFFC0];
	_ =	sdelay $0x1  }
0xea: {  	v21 =	vld [tilespmem:s31+$0xFFFFFFD0];
	_ =	sdelay $0x1  }
0xeb: {  	v22 =	vimm.f32 $-Inf;
	v23 =	vld [tilespmem:s31+$0xFFFFFFE0]  }
0xec: {  	vm10 =	vgt.f32 v20, v22  }
0xed: {  	v24 =	vadd.s32 s0, v1;
	v20 =	vsel vm10, v20, v22;
	v22 =	vld [tilespmem:s31+$0xFFFFFFF0]  }
0xee: {  	v25 =	vadd.s32 s0, v3;
	v24 =	vcvt.s32.f32 v24;
	vm14 =	vgt.f32 v21, v20  }
0xef: {  	v25 =	vcvt.s32.f32 v25;
	v26 =	vimm.f32 $-1.000000000e+06;
	v20 =	vsel vm14, v21, v20;
	v21 =	vld [tilespmem:s31+$0x0]  }
0xf0: {  	v24 =	vsel vm10, v24, v26;
	vm10 =	vgt.f32 v23, v20  }
0xf1: {  	v26 =	vadd.s32 s0, v4;
	v24 =	vsel vm14, v25, v24;
	v20 =	vsel vm10, v23, v20  }
0xf2: {  	v27 =	vld [tilespmem:s31+$0x10];
	v25 =	vcvt.s32.f32 v26;
	v26 =	vadd.s32 s0, v5;
	vm14 =	vgt.f32 v22, v20  }
0xf3: {  	v23 =	vcvt.s32.f32 v26;
	v26 =	vadd.s32 s0, v6;
	v22 =	vsel vm14, v22, v20  }
0xf4: {  	v24 =	vsel vm10, v25, v24;
	v25 =	vcvt.s32.f32 v26;
	v20 =	vld [tilespmem:s31+$0x20];
	vm10 =	vgt.f32 v21, v22  }
0xf5: {  	v23 =	vsel vm14, v23, v24;
	v24 =	vadd.s32 s0, v7;
	v26 =	vsel vm10, v21, v22;
	v22 =	vld [tilespmem:s31+$0x30]  }
0xf6: {  	v28 =	vadd.s32 s0, v8;
	v24 =	vcvt.s32.f32 v24  }
0xf7: {  	s24 =	simm.s32 $0xC0;
	v25 =	vsel vm10, v25, v23;
	v23 =	vadd.s32 s0, v9;
	vm10 =	vgt.f32 v27, v26  }
0xf8: {  	s23 =	simm.s32 $0xFFFFFF8F;
	s1 =	simm.s32 $0xFFFFFF1E;
	v21 =	vld [tilespmem:s24+$0xFFFFFFC0];
	v26 =	vsel vm10, v27, v26;
	v24 =	vsel vm10, v24, v25;
	v25 =	vcvt.s32.f32 v28  }
.LBB2_8:
0xf9: {  	p0 =	sne.s32 s1, $0xFFFFCE90;
	vm10 =	vgt.f32 v20, v26;
	v23 =	vcvt.s32.f32 v23  }
0xfa: {  	v27 =	vld [tilespmem:s24+$0xFFFFFFD0];
	v20 =	vsel vm10, v20, v26;
	v24 =	vsel vm10, v25, v24;
	v22 =	vnsel vm0, $0xBF800000, v22  }
0xfb: {  	v25 =	vadd.s32 s23, v1;
	vm10 =	vgt.f32 v22, v20  }
0xfc: {  	v25 =	vcvt.s32.f32 v25;
	v26 =	vld [tilespmem:s24+$0xFFFFFFE0];
	v20 =	vsel vm10, v22, v20;
	v22 =	vsel vm10, v23, v24  }
0xfd: {  	v23 =	vadd.s32 s23, v3;
	vm10 =	vgt.f32 v21, v20  }
0xfe: {  	v20 =	vsel vm10, v21, v20;
	v21 =	vsel vm10, v25, v22;
	v22 =	vcvt.s32.f32 v23;
	v23 =	vld [tilespmem:s24+$0xFFFFFFF0]  }
0xff: {  	v24 =	vadd.s32 s23, v4;
	vm10 =	vgt.f32 v27, v20  }
0x100: {  	v20 =	vsel vm10, v27, v20;
	v21 =	vsel vm10, v22, v21;
	v22 =	vcvt.s32.f32 v24;
	v24 =	vld [tilespmem:s24+$0x0]  }
0x101: {  	v25 =	vadd.s32 s23, v5;
	vm10 =	vgt.f32 v26, v20  }
0x102: {  	v20 =	vsel vm10, v26, v20;
	v21 =	vsel vm10, v22, v21;
	v22 =	vcvt.s32.f32 v25;
	v25 =	vld [tilespmem:s24+$0x10]  }
0x103: {  	v26 =	vadd.s32 s23, v6;
	vm10 =	vgt.f32 v23, v20  }
.Ltmp3:
0x104: {  	v26 =	vcvt.s32.f32 v26;
	v23 =	vsel vm10, v23, v20;
	v21 =	vsel vm10, v22, v21;
	v20 =	vld [tilespmem:s24+$0x20];
	(pc) =	sbr.rel @p0 .LBB2_8-.Ltmp3, $4  }
0x105: {  	v27 =	vadd.s32 s23, v7;
	vm10 =	vgt.f32 v24, v23;
	v22 =	vld [tilespmem:s24+$0x30]  }
0x106: {  	v27 =	vcvt.s32.f32 v27;
	v24 =	vsel vm10, v24, v23;
	v28 =	vsel vm10, v26, v21  }
0x107: {  	v29 =	vadd.s32 s23, v8;
	s24 =	sadd.s32 $0x80, s24;
	v23 =	vadd.s32 s23, v9;
	s23 =	smov.u32 s1;
	vm10 =	vgt.f32 v25, v24  }
0x108: {  	s1 =	sadd.s32 $0xFFFFFF8F, s1;
	v21 =	vld [tilespmem:s24+$0xFFFFFFC0];
	v26 =	vsel vm10, v25, v24;
	v24 =	vsel vm10, v27, v28;
	v25 =	vcvt.s32.f32 v29  }
0x109: {  	vm10 =	vgt.f32 v20, v26  }
0x10a: {  	v27 =	vld [tilespmem:s24+$0xFFFFFFD0];
	v20 =	vsel vm10, v20, v26;
	v22 =	vnsel vm0, $0xBF800000, v22  }
0x10b: {  	vm14 =	vgt.f32 v22, v20  }
0x10c: {  	v26 =	vld [tilespmem:s24+$0xFFFFFFE0];
	v20 =	vsel vm14, v22, v20  }
0x10d: {  	vm15 =	vgt.f32 v21, v20  }
0x10e: {  	v22 =	vcvt.s32.f32 v23;
	v20 =	vsel vm15, v21, v20;
	v21 =	vld [tilespmem:s24+$0xFFFFFFF0]  }
0x10f: {  	v23 =	vsel vm10, v25, v24;
	v24 =	vadd.s32 s23, v1;
	vm10 =	vgt.f32 v27, v20  }
0x110: {  	v25 =	vadd.s32 s23, v3;
	v24 =	vcvt.s32.f32 v24;
	v20 =	vsel vm10, v27, v20;
	v27 =	vld [tilespmem:s24+$0x0]  }
0x111: {  	v22 =	vsel vm14, v22, v23;
	v23 =	vcvt.s32.f32 v25;
	vm14 =	vgt.f32 v26, v20  }
0x112: {  	v22 =	vsel vm15, v24, v22;
	v24 =	vld [tilespmem:s24+$0x10];
	v20 =	vsel vm14, v26, v20  }
0x113: {  	v25 =	vadd.s32 s23, v4;
	v22 =	vsel vm10, v23, v22;
	vm10 =	vgt.f32 v21, v20  }
0x114: {  	v23 =	vcvt.s32.f32 v25;
	v25 =	vadd.s32 s23, v5;
	v20 =	vsel vm10, v21, v20;
	v21 =	vld [tilespmem:s24+$0x20]  }
0x115: {  	v28 =	vld [tilespmem:s24+$0x30];
	v25 =	vcvt.s32.f32 v25;
	v26 =	vadd.s32 s23, v6;
	vm15 =	vgt.f32 v27, v20  }
0x116: {  	v22 =	vsel vm14, v23, v22;
	v23 =	vcvt.s32.f32 v26;
	v20 =	vsel vm15, v27, v20  }
0x117: {  	v22 =	vsel vm10, v25, v22;
	v25 =	vadd.s32 s23, v7;
	vm10 =	vgt.f32 v24, v20  }
0x118: {  	v22 =	vsel vm15, v23, v22;
	v23 =	vcvt.s32.f32 v25;
	v20 =	vsel vm10, v24, v20  }
0x119: {  	v25 =	vadd.s32 s23, v9;
	v24 =	vadd.s32 s23, v8;
	vm14 =	vgt.f32 v21, v20  }
0x11a: {  	v24 =	vcvt.s32.f32 v24;
	v20 =	vsel vm14, v21, v20;
	v21 =	vnsel vm0, $0xBF800000, v28  }
0x11b: {  	v22 =	vsel vm10, v23, v22;
	v23 =	vcvt.s32.f32 v25;
	vm10 =	vgt.f32 v21, v20  }
0x11c: {  	v22 =	vsel vm14, v24, v22;
	v20 =	vsel vm10, v21, v20  }
0x11d: {  	v21 =	vsel vm10, v23, v22;
	[tilespmem:$0x13900] =	vst v20  }
0x11e: {  	s0 =	simm.s32 $0x13900;
	[tilespmem:$0x13980] =	vst v21  }
0x11f: {  	s1 =	simm.s32 $0x13980;
	v22 =	vld.idx.msk [tilespmem:v10+s0+$0x0], $0xffff  }
0x120: {  	v23 =	vld.idx.msk [tilespmem:v10+s1+$0x0], $0xffff;
	_ =	sdelay $0x4  }
0x121: {  	vm10 =	veq.f32 v22, v20;
	vm14 =	vgt.f32 v23, v21  }
0x122: {  	vm15 =	vgt.f32 v22, v20;
	vm10 =	vmand vm10, vm14  }
0x123: {  	vm10 =	vmor vm15, vm10  }
0x124: {  	v20 =	vsel vm10, v22, v20  }
0x125: {  	v21 =	vsel vm10, v23, v21;
	[tilespmem:$0x13900] =	vst v20  }
0x126: {  	[tilespmem:$0x13980] =	vst v21  }
0x127: {  	v22 =	vld.idx.msk [tilespmem:v11+s0+$0x0], $0xffff  }
0x128: {  	v23 =	vld.idx.msk [tilespmem:v11+s1+$0x0], $0xffff;
	_ =	sdelay $0x4  }
0x129: {  	vm10 =	veq.f32 v22, v20;
	vm14 =	vgt.f32 v23, v21  }
0x12a: {  	vm15 =	vgt.f32 v22, v20;
	vm10 =	vmand vm10, vm14  }
0x12b: {  	vm10 =	vmor vm15, vm10  }
0x12c: {  	v20 =	vsel vm10, v22, v20  }
0x12d: {  	v21 =	vsel vm10, v23, v21;
	[tilespmem:$0x13900] =	vst v20  }
0x12e: {  	[tilespmem:$0x13980] =	vst v21  }
0x12f: {  	v22 =	vld.idx.msk [tilespmem:v12+s0+$0x0], $0xffff  }
0x130: {  	v23 =	vld.idx.msk [tilespmem:v12+s1+$0x0], $0xffff;
	_ =	sdelay $0x4  }
0x131: {  	vm10 =	veq.f32 v22, v20;
	vm14 =	vgt.f32 v23, v21  }
0x132: {  	vm15 =	vgt.f32 v22, v20;
	vm10 =	vmand vm10, vm14  }
0x133: {  	vm10 =	vmor vm15, vm10  }
0x134: {  	v20 =	vsel vm10, v22, v20  }
0x135: {  	v22 =	vsel vm10, v23, v21;
	[tilespmem:$0x13900] =	vst v20  }
0x136: {  	[tilespmem:$0x13980] =	vst v22  }
0x137: {  	v21 =	vld.idx.msk [tilespmem:v13+s0+$0x0], $0xffff  }
0x138: {  	v23 =	vld.idx.msk [tilespmem:v13+s1+$0x0], $0xffff;
	_ =	sdelay $0x4  }
0x139: {  	vm10 =	veq.f32 v21, v20;
	vm14 =	vgt.f32 v23, v22  }
0x13a: {  	vm15 =	vgt.f32 v21, v20;
	vm10 =	vmand vm10, vm14  }
0x13b: {  	vm14 =	vmor vm15, vm10  }
0x13c: {  	v22 =	vsel vm14, v23, v22  }
0x13d: {  	v22 =	vxor.u32 $0x80000000, v22  }
0x13e: {  	v22 =	vtrunc.f32 v22  }
0x13f: {  	v22 =	vcvt.f32.s32 v22;
	_ =	sdelay $0x1  }
0x140: {  	v19 =	vadd.s32 v19, v22  }
0x141: {  	(v2sf) =	vpush v19, $0xD;
	_ =	sdelay $0x1  }
0x142: {  	(v2sf) =	vpush v19, $0xC;
	_ =	sdelay $0x1  }
0x143: {  	(v2sf) =	vpush v19, $0xE;
	_ =	sdelay $0x1  }
0x144: {  	(v2sf) =	vpush v19, $0xF;
	_ =	sdelay $0x1  }
0x145: {  	(v2sf) =	vpush v19, $0x9;
	_ =	sdelay $0x1  }
0x146: {  	(v2sf) =	vpush v19, $0x8;
	_ =	sdelay $0x1  }
0x147: {  	(v2sf) =	vpush v19, $0xA;
	_ =	sdelay $0x1  }
0x148: {  	(v2sf) =	vpush v19, $0xB  }
0x149: {  	s28 =	spop (v2sf)  }
0x14a: {  	(v2sf) =	vpush v19, $0x0;
	s29 =	smulhi.u32 $0x487EDE05, s28;
	s0 =	sshra.s32 s28, $0x1F  }
0x14b: {  	s2 =	spop (v2sf);
	s0 =	smul.u32 $0x487EDE05, s0  }
0x14c: {  	(v2sf) =	vpush v19, $0x1;
	s4 =	smulhi.u32 $0x487EDE05, s2;
	s2 =	sshra.s32 s2, $0x1F  }
0x14d: {  	s3 =	spop (v2sf);
	s2 =	smul.u32 $0x487EDE05, s2  }
0x14e: {  	(v2sf) =	vpush v19, $0x2;
	s6 =	smulhi.u32 $0x487EDE05, s3;
	s3 =	sshra.s32 s3, $0x1F  }
0x14f: {  	(v2sf) =	vpush v19, $0x3;
	s5 =	spop (v2sf);
	s8 =	smul.u32 $0x487EDE05, s3  }
0x150: {  	(v2sf) =	vpush v19, $0x4;
	s9 =	smulhi.u32 $0x487EDE05, s5;
	s5 =	sshra.s32 s5, $0x1F  }
0x151: {  	(v2sf) =	vpush v19, $0x5;
	s7 =	spop (v2sf);
	s5 =	smul.u32 $0x487EDE05, s5  }
0x152: {  	(v2sf) =	vpush v19, $0x6;
	s11 =	smulhi.u32 $0x487EDE05, s7;
	s7 =	sshra.s32 s7, $0x1F  }
0x153: {  	(v2sf) =	vpush v19, $0x7;
	s30 =	spop (v2sf);
	s7 =	smul.u32 $0x487EDE05, s7  }
0x154: {  	s16 =	smulhi.u32 $0x487EDE05, s30;
	s3 =	sshra.s32 s30, $0x1F  }
0x155: {  	s24 =	sadd.s32 s0, s29;
	s10 =	spop (v2sf);
	s19 =	smul.u32 $0x487EDE05, s3  }
0x156: {  	s26 =	sadd.s32 s2, s4;
	s21 =	smulhi.u32 $0x487EDE05, s10;
	s31 =	sshra.s32 s10, $0x1F  }
0x157: {  	s4 =	sshrl.u32 s24, $0x1F;
	s12 =	spop (v2sf);
	s28 =	smul.u32 $0x487EDE05, s31  }
0x158: {  	s25 =	sadd.s32 s8, s6;
	s30 =	smulhi.u32 $0x487EDE05, s12;
	s12 =	sshra.s32 s12, $0x1F  }
0x159: {  	s8 =	sshrl.u32 s25, $0x1F;
	s14 =	spop (v2sf);
	s0 =	smul.u32 $0x487EDE05, s12  }
0x15a: {  	s23 =	sadd.s32 s5, s9;
	s2 =	smulhi.u32 $0x487EDE05, s14;
	s14 =	sshra.s32 s14, $0x1F  }
0x15b: {  	s31 =	sadd.s32 s7, s11;
	s15 =	spop (v2sf);
	s14 =	smul.u32 $0x487EDE05, s14  }
0x15c: {  	s11 =	sshrl.u32 s23, $0x1F;
	s6 =	smulhi.u32 $0x487EDE05, s15;
	s15 =	sshra.s32 s15, $0x1F  }
0x15d: {  	s12 =	sshrl.u32 s26, $0x1F;
	s17 =	spop (v2sf);
	s5 =	smul.u32 $0x487EDE05, s15  }
0x15e: {  	s20 =	spop (v2sf);
	s7 =	smulhi.u32 $0x487EDE05, s17;
	s17 =	sshra.s32 s17, $0x1F  }
0x15f: {  	s29 =	sadd.s32 s28, s21;
	s10 =	spop (v2sf);
	s9 =	smul.u32 $0x487EDE05, s17  }
0x160: {  	s15 =	smulhi.u32 $0x487EDE05, s20;
	s21 =	sshra.s32 s20, $0x1F;
	s22 =	spop (v2sf)  }
0x161: {  	s28 =	sadd.s32 s0, s30;
	s0 =	smul.u32 $0x487EDE05, s21;
	s3 =	spop (v2sf)  }
0x162: {  	s1 =	sadd.s32 s19, s16;
	s21 =	smulhi.u32 $0x487EDE05, s10;
	s17 =	spop (v2sf)  }
0x163: {  	s2 =	sadd.s32 s14, s2;
	s19 =	smulhi.u32 $0x487EDE05, s17;
	s16 =	sshra.s32 s17, $0x1F  }
0x164: {  	s5 =	sadd.s32 s5, s6;
	s10 =	sshra.s32 s10, $0x1F;
	s20 =	smul.u32 $0x487EDE05, s16  }
0x165: {  	v23 =	vmov s12;
	s6 =	sshrl.u32 s29, $0x1F;
	s7 =	sadd.s32 s9, s7;
	s10 =	smul.u32 $0x487EDE05, s10  }
0x166: {  	v23 =	vsel vm1, s4, v23;
	s0 =	sadd.s32 s0, s15;
	s15 =	sshra.s32 s2, $0x5;
	s30 =	sadd.s32 s20, s19  }
0x167: {  	vm10 =	vcmask $0x704;
	v23 =	vsel vm2, s8, v23;
	s8 =	sshrl.u32 s7, $0x1F;
	s16 =	sshrl.u32 s1, $0x1F;
	s14 =	sshra.s32 s30, $0x1F  }
0x168: {  	v23 =	vsel vm3, s11, v23;
	s9 =	sadd.s32 s10, s21;
	s17 =	sshrl.u32 s31, $0x1F;
	s1 =	sshra.s32 s1, $0x5;
	v25 =	vmov s16;
	v22 =	vmov s14  }
0x169: {  	s4 =	smulhi.u32 $0x487EDE05, s22;
	v26 =	vmov s1;
	s19 =	sshrl.u32 s2, $0x1F;
	s2 =	sshra.s32 s2, $0x1F;
	v25 =	vsel vm1, s17, v25;
	v22 =	vsel vm4, s15, v22  }
0x16a: {  	s21 =	sshra.s32 s22, $0x1F;
	s22 =	sshra.s32 s5, $0x5;
	s17 =	sshra.s32 s31, $0x5;
	v24 =	vmov s19;
	v25 =	vsel vm2, s6, v25;
	v22 =	vsel vm10, s2, v22  }
0x16b: {  	s10 =	sshrl.u32 s28, $0x1F;
	s20 =	sshrl.u32 s5, $0x1F;
	s5 =	sshra.s32 s5, $0x1F;
	v26 =	vsel vm1, s17, v26;
	vm10 =	vcmask $0xF0C;
	v22 =	vsel vm1, s22, v22  }
0x16c: {  	s12 =	smul.u32 $0x487EDE05, s21;
	s21 =	sshra.s32 s7, $0x1F;
	s19 =	sshra.s32 s7, $0x5;
	v24 =	vnsel vm4, $0x0, v24;
	v25 =	vsel vm3, s10, v25;
	v22 =	vsel vm10, s5, v22  }
0x16d: {  	s16 =	sshra.s32 s24, $0x5;
	s7 =	sshra.s32 s0, $0x5;
	s14 =	sshra.s32 s26, $0x5;
	v24 =	vsel vm1, s20, v24;
	vm10 =	vcmask $0x1714;
	v22 =	vsel vm2, s19, v22  }
0x16e: {  	s15 =	smulhi.u32 $0x487EDE05, s3;
	s3 =	sshra.s32 s3, $0x1F;
	s20 =	sshrl.u32 s0, $0x1F;
	v23 =	vcombine.low v25, v23;
	v25 =	vmov s14;
	v22 =	vsel vm10, s21, v22  }
0x16f: {  	s0 =	sshra.s32 s0, $0x1F;
	v24 =	vsel vm2, s8, v24;
	s3 =	smul.u32 $0x487EDE05, s3;
	s2 =	sadd.s32 s12, s4;
	vm10 =	vcmask $0x1F1C;
	v22 =	vsel vm3, s7, v22  }
0x170: {  	s12 =	sshra.s32 s9, $0x5;
	v25 =	vsel vm1, s16, v25;
	v24 =	vsel vm3, s20, v24;
	s22 =	sshrl.u32 s9, $0x1F;
	s8 =	sshrl.u32 s2, $0x1F;
	v22 =	vsel vm10, s0, v22  }
0x171: {  	s20 =	sshra.s32 s25, $0x5;
	v24 =	vsel vm5, s22, v24;
	s3 =	sadd.s32 s3, s15;
	s15 =	sshra.s32 s9, $0x1F;
	vm10 =	vcmask $0x2724;
	v22 =	vsel vm5, s12, v22  }
0x172: {  	s24 =	sshra.s32 s23, $0x5;
	v25 =	vsel vm2, s20, v25;
	v24 =	vsel vm6, s8, v24;
	s19 =	sshra.s32 s2, $0x5;
	v22 =	vsel vm10, s15, v22  }
0x173: {  	s22 =	sshra.s32 s2, $0x1F;
	s11 =	sshrl.u32 s3, $0x1F;
	v25 =	vsel vm3, s24, v25;
	s21 =	sshra.s32 s29, $0x5;
	vm10 =	vcmask $0x2F2C;
	v22 =	vsel vm6, s19, v22  }
0x174: {  	s25 =	sshra.s32 s28, $0x5;
	s26 =	sshra.s32 s3, $0x5;
	v24 =	vsel vm7, s11, v24;
	v26 =	vsel vm2, s21, v26;
	v22 =	vsel vm10, s22, v22  }
0x175: {  	s28 =	sshrl.u32 s30, $0x1F;
	s29 =	sshra.s32 s3, $0x1F;
	v26 =	vsel vm3, s25, v26;
	vm10 =	vcmask $0x3734;
	v22 =	vsel vm7, s26, v22  }
0x176: {  	s30 =	sshra.s32 s30, $0x5;
	v24 =	vsel vm8, s28, v24;
	v25 =	vcombine.low v26, v25;
	v22 =	vsel vm10, s29, v22  }
0x177: {  	v23 =	vperm.xlane v23, v14;
	v24 =	vperm.xlane v24, v15;
	v22 =	vsel vm8, s30, v22  }
0x178: {  	v25 =	vperm.xlane v25, v14;
	v22 =	vperm.xlane v22, v15;
	_ =	sdelay $0x1  }
0x179: {  	v23 =	vsel vm9, v24, v23;
	v22 =	vsel vm9, v22, v25  }
0x17a: {  	v22 =	vadd.s32 v23, v22  }
0x17b: {  	v23 =	vmul.u32 $0xFFFFFF8F, v22;
	_ =	sdelay $0x1  }
0x17c: {  	v23 =	vadd.s32 v19, v23  }
0x17d: {  	vm15 =	vlt.s32 v19, $0x1;
	vm10 =	vne.s32 v23, $0x0  }
0x17e: {  	vm10 =	vmand vm15, vm10  }
0x17f: {  	v19 =	vsel vm10, $0xFFFFFFFF, v16  }
0x180: {  	v24 =	vshll.u32 v23, $0x1;
	v19 =	vadd.s32 v19, v22  }
0x181: {  	s31 =	simm.s32 $0x0;
	vm10 =	vlt.s32 v23, $0x0;
	v23 =	vadd.s32 $0xE2, v24;
	v22 =	vshll.u32 v19, $0x1  }
0x182: {  	v19 =	vsel vm10, v23, v24;
	v23 =	vadd.s32 s31, v22  }
0x183: {  	v25 =	vadd.s32 v0, v19;
	v26 =	vadd.s32 v17, v19;
	v23 =	vshll.u32 v23, $0x8  }
0x184: {  	s1 =	simm.s32 $0x1;
	v24 =	vadd.s32 v25, v23;
	v23 =	vadd.s32 v26, v23  }
.LBB2_10:
0x185: {  	p0 =	sne.s32 s1, $0x1F  }
.Ltmp4:
0x186: {  	_ = 	snop;
	(pc) =	sbr.rel @p0 .LBB2_10-.Ltmp4, $4  }
0x187: {  	_ = 	snop  }
0x188: {  	v27 =	vadd.s32 s1, v22  }
0x189: {  	[tilespmem:v24+s18+$0x0] =	vst.idx.msk $0xffff, v18;
	v27 =	vshll.u32 v27, $0x8  }
0x18a: {  	s1 =	sadd.s32 $0x1, s1;
	[tilespmem:v23+s18+$0x0] =	vst.idx.msk $0xffff, v18;
	v24 =	vadd.s32 v25, v27;
	v23 =	vadd.s32 v26, v27  }
0x18b: {  	vm10 =	vlt.s32 v22, $0xE0  }
0x18c: {  	v25 =	vnsel vm10, $0xE0, v22  }
0x18d: {  	vm10 =	vlt.s32 v19, $0xE0;
	v25 =	vadd.s32 $0x1F, v25  }
0x18e: {  	v26 =	vnsel vm10, $0xE0, v19;
	v25 =	vsel vm11, $0x0, v25  }
0x18f: {  	v63 =	vadd.s32 $0x1F, v26;
	v62 =	vsel vm12, v25, v22  }
0x190: {  	[tilespmem:v24+s18+$0x0] =	vst.idx.msk $0xffff, v18;
	v22 =	vsel vm13, v62, v63  }
0x191: {  	[tilespmem:v23+s18+$0x0] =	vst.idx.msk $0xffff, v18;
	v19 =	vsel vm0, v19, v22  }
0x192: {  	s2 =	simm.s32 $0x0;
	s0 =	rddreg [dreg:$0x8];
	s1 =	simm.s32 $0x13A00;
	[tilespmem:$0x13A00] =	vst v19  }
0x193: {  	[hbm4b:s0+s2] =	stream.linear.scatter [tilespmem:s1], [sflag:$0x1], $0x80, $0x38;
	[tilespmem:$0x13B00] =	vst v63  }
0x194: {  	_ =	swait.ge [sflag:s13], $0x80  }
0x195: {  	v19 =	vsel vm14, v21, v20;
	[sflag:s13] =	ssyncset.done $0x0  }
0x196: {  	v19 =	vnsel vm0, $0x0, v19;
	[sflag:s13] =	ssyncadd.s32 $0xFFFFFF80  }
0x197: {  	s26 =	simm.s32 $0x13A80;
	s25 =	rddreg [dreg:$0x9];
	[tilespmem:$0x13A80] =	vst v19  }
0x198: {  	[hbm4b:s25+s2] =	stream.linear.scatter [tilespmem:s26], [sflag:$0x1], $0x80, $0x38;
	[tilespmem:$0x13B00] =	vst v63  }
0x199: {  	_ =	swait.ge [sflag:s13], $0x80  }
0x19a: {  	s22 =	simm.s32 $0x80;
	[sflag:s13] =	ssyncset.done $0x0  }
0x19b: {  	s29 =	simm.s32 $0x400;
	s28 =	rddreg [dreg:$0xa];
	[sflag:s13] =	ssyncadd.s32 $0xFFFFFF80  }
0x19c: {  	[hbm4b:s28+s22] =	stream.strided.scatter [tilespmem:s18], [sflag:$0x1], $0x10000, s29, s22, $0x38;
	[tilespmem:$0x13B00] =	vst v63  }
0x19d: {  	_ =	swait.ge [sflag:s13], $0x10000  }
0x19e: {  	s30 =	rddreg [dreg:$0xc]  }
0x19f: {  	s31 =	rddreg [dreg:$0xb];
	s1 =	sadd.s32 $0x1, s30  }
0x1a0: {  	p0 =	sne.s32 s1, s31  }
.Ltmp5:
0x1a1: {  	_ = 	snop;
	(pc) =	sbr.rel @p0 .LBB2_1-.Ltmp5, $3  }
0x1a2: {  	_ =	sdelay $0x1  }
0x1a3: {  	[sflag:s13] =	ssyncset.done $0x0  }
0x1a4: {  	[sflag:s13] =	ssyncadd.s32 $0xFFFF0000  }
0x1a5: {  	_ =	sfence.sel $0x180000  }
0x1a6: {  	[bflag:$0x0] =	sbarrier.arrive $0xFFFF  }
0x1a7: {  	_ =	strace $0x90000047  }
0x1a8: {  	s0 =	stileid.u32;
	[bflag:$0x2] =	sbarrier.arrive $0xFFFF  }
0x1a9: {  	p0 =	sne.s32 s0, $0x0;
	s0 =	rddreg [dreg:$0x3]  }
0x1aa: {  	s0 =	sadd.s32 @!p0 $0x100000, s0  }
0x1ab: {  	[sflag:s0] =	ssyncadd.tile.s32 @!p0 $0x1;
	_ =	shalt  }
.Lfunc_end2:
_tile_overlayer_lowered:
.L_overlay_start_2:
0x1ac: {  	(tag) =	ssettag $0x2  }
0x1ad: {  	s0 =	rddreg [dreg:$0x0];
	s2 =	stileid.u32  }
0x1ae: {  	s1 =	rddreg [dreg:$0x1];
	p0 =	sne.s32 s2, $0x0  }
0x1af: {  	s3 =	rddreg [dreg:$0x2];
	[bflag:$0x3] =	sbarrier.arrive $0xFFFF;
	s2 =	simm.s32 @!p0 $0x1C01  }
0x1b0: {  	[timem:s3], [sflag:s2] =	dma.local @!p0 [hbm:s0], s1  }
0x1b1: {  	s0 =	simm.s32 @!p0 $0x1  }
0x1b2: {  	_ =	swait.ge @!p0 [sflag:s0], s1  }
0x1b3: {  	s1 =	ssub.s32 @!p0 $0x0, s1;
	[sflag:s0] =	ssyncset.done @!p0 $0x0  }
0x1b4: {  	[sflag:s0] =	ssyncadd.s32 @!p0 s1  }
0x1b5: {  	[bflag:$0x3] =	sbarrier.arrive $0xFFFF  }
0x1b6: {  	_ =	shalt  }

</sc_bundles>
